<compile_context>
chip_gen: v7x
topology: tpu7x:2x2x1
jax: 0.10.2.dev20260603
libtpu: 0.0.44.dev20260713+nightly
codegen_flags: <defaults>
</compile_context>

<pallas_src>
import functools

import jax
import jax.numpy as jnp
from jax import lax
from jax.experimental import pallas as pl
from jax.experimental.pallas import tpu as pltpu
from jax.experimental.pallas import tpu_sc as plsc

_LANES = 16
_CHUNK = 16


def _make_kernel(B, D):
    info = plsc.get_sparse_core_info()
    nc, ns = info.num_cores, info.num_subcores
    nw = nc * ns
    bpw = B // nw
    nd = D // _LANES
    nch = bpw // _CHUNK

    mesh = plsc.VectorSubcoreMesh(core_axis_name="c", subcore_axis_name="s")

    @functools.partial(
        pl.kernel,
        mesh=mesh,
        compiler_params=pltpu.CompilerParams(needs_layout_passes=False),
        out_type=jax.ShapeDtypeStruct((B,), jnp.float32),
        scratch_types=[
            pltpu.VMEM((bpw,), jnp.int32),
            pltpu.VMEM((bpw,), jnp.int32),
            pltpu.VMEM((_CHUNK, D), jnp.float32),
            pltpu.VMEM((_CHUNK, D), jnp.float32),
            pltpu.VMEM((bpw,), jnp.float32),
            pltpu.SemaphoreType.DMA,
            pltpu.SemaphoreType.DMA,
        ],
    )
    def run(users_hbm, items_hbm, uemb_hbm, iemb_hbm, out_hbm,
            uidx, iidx, ubuf, ibuf, outv, usem, isem):
        wid = lax.axis_index("s") * nc + lax.axis_index("c")
        base = wid * bpw

        pltpu.sync_copy(users_hbm.at[pl.ds(base, bpw)], uidx)
        pltpu.sync_copy(items_hbm.at[pl.ds(base, bpw)], iidx)

        lanes = lax.iota(jnp.int32, _LANES)

        def chunk(j, carry):
            cb = j * _CHUNK
            copies = []
            for g16 in range(_CHUNK // _LANES):
                uv = uidx[pl.ds(cb + g16 * _LANES, _LANES)]
                iv = iidx[pl.ds(cb + g16 * _LANES, _LANES)]
                for k in range(_LANES):
                    b = g16 * _LANES + k
                    copies.append(pltpu.async_copy(
                        uemb_hbm.at[pl.ds(uv[k], 1)],
                        ubuf.at[pl.ds(b, 1)], usem))
                    copies.append(pltpu.async_copy(
                        iemb_hbm.at[pl.ds(iv[k], 1)],
                        ibuf.at[pl.ds(b, 1)], isem))
            for c in copies:
                c.wait()

            for g16 in range(_CHUNK // _LANES):
                gb = g16 * _LANES
                tot = jnp.zeros((_LANES,), jnp.float32)
                for b16 in range(_LANES):
                    k = gb + b16
                    s = ubuf[k, pl.ds(0, _LANES)] * ibuf[k, pl.ds(0, _LANES)]
                    for c in range(1, nd):
                        s = s + (ubuf[k, pl.ds(c * _LANES, _LANES)]
                                 * ibuf[k, pl.ds(c * _LANES, _LANES)])
                    tot = jnp.where(lanes == b16, jnp.sum(s), tot)
                outv[pl.ds(cb + gb, _LANES)] = tot
            return carry

        lax.fori_loop(0, nch, chunk, 0)

        pltpu.sync_copy(outv, out_hbm.at[pl.ds(base, bpw)])

    return run


def kernel(users, items, user_emb, item_emb):
    B = users.shape[0]
    D = user_emb.shape[1]
    users = users.astype(jnp.int32)
    items = items.astype(jnp.int32)
    run = _make_kernel(B, D)
    return run(users, items, user_emb, item_emb)

# --- scband reference (transcript-rebuilt; emitter-appended) ---
"""Pipeline reference for scband-bprmf-68092411510965 (READ-ONLY COPY).

The authoritative reference and input builder live on the scoring server;
editing this copy changes nothing except your own understanding.
"""

import jax, jax.numpy as jnp
import numpy as np

NUM_USERS = 1000000
NUM_ITEMS = 1000000
EMB_DIM = 64
BATCH = 16384

def setup_inputs(seed: int = 0) -> dict:
    key = jax.random.key(seed)
    k1, k2, k3, k4 = jax.random.split(key, 4)
    users = jax.random.randint(k1, (BATCH,), 0, NUM_USERS, dtype=jnp.int64 if jax.config.jax_enable_x64 else jnp.int32)
    items = jax.random.randint(k2, (BATCH,), 0, NUM_ITEMS, dtype=jnp.int64 if jax.config.jax_enable_x64 else jnp.int32)
    user_emb = jax.random.normal(k3, (NUM_USERS, EMB_DIM), dtype=jnp.float32) * 0.01
    item_emb = jax.random.normal(k4, (NUM_ITEMS, EMB_DIM), dtype=jnp.float32) * 0.01
    return {"users": users, "items": items, "user_emb": user_emb, "item_emb": item_emb}

def reference(users, items, user_emb, item_emb):
    # BPR-MF forward: s(u, i) = <p_u, q_i>
    u = jnp.take(user_emb, users, axis=0)   # [B, D] gather
    i = jnp.take(item_emb, items, axis=0)   # [B, D] gather
    return (u * i).sum(axis=-1)             # [B]

if __name__ == "__main__":
    import jax
    _d = setup_inputs()
    print(jax.jit(kernel)(*tuple(_d.values())))

</pallas_src>

<mosaic_0001>
#map = affine_map<(d0, d1) -> (0)>
#map1 = affine_map<(d0, d1) -> (0, 0)>
module attributes {stable_mosaic.version = 14 : i64} {
  func.func @run(%arg0: i32, %arg1: i32, %arg2: memref<16384xi32, #tpu.memory_space<hbm>>, %arg3: memref<16384xi32, #tpu.memory_space<hbm>>, %arg4: memref<1000000x64xf32, #tpu.memory_space<hbm>>, %arg5: memref<1000000x64xf32, #tpu.memory_space<hbm>>, %arg6: memref<16384xf32, #tpu.memory_space<hbm>>, %arg7: memref<512xi32, #tpu.memory_space<vmem>>, %arg8: memref<512xi32, #tpu.memory_space<vmem>>, %arg9: memref<16x64xf32, #tpu.memory_space<vmem>>, %arg10: memref<16x64xf32, #tpu.memory_space<vmem>>, %arg11: memref<512xf32, #tpu.memory_space<vmem>>, %arg12: memref<!tpu.dma_semaphore, #tpu.memory_space<semaphore_mem>>, %arg13: memref<!tpu.dma_semaphore, #tpu.memory_space<semaphore_mem>>) attributes {dimension_semantics = [#tpu.dimension_semantics<core_parallel>, #tpu.dimension_semantics<subcore_parallel>], iteration_bounds = array<i64: 2, 16>, scalar_prefetch = 0 : i64, scratch_operands = 7 : i64, tpu.core_type = #tpu.core_type<sc_vector_subcore>, window_params = [{transform_indices = #map}, {transform_indices = #map}, {transform_indices = #map1}, {transform_indices = #map1}, {transform_indices = #map}]} {
    %mul3A = arith.constant 2 : i32
    %mul3A_0 = arith.muli %arg1, %mul3A : i32
    %add3A = arith.addi %mul3A_0, %arg0 : i32
    %mul3A_1 = arith.constant 512 : i32
    %mul3A_2 = arith.muli %add3A, %mul3A_1 : i32
    "tpu.region"() ({
      %run_scoped3A = tpu.sem_alloc : memref<!tpu.dma_semaphore, #tpu.memory_space<semaphore_mem>>
      %dma_start3A = tpu.memref_slice %arg2[%mul3A_2] : memref<16384xi32, #tpu.memory_space<hbm>> -> memref<512xi32, #tpu.memory_space<hbm>>
      %dma_start3A_8 = tpu.memref_slice %arg2[%mul3A_2] : memref<16384xi32, #tpu.memory_space<hbm>> -> memref<512xi32, #tpu.memory_space<hbm>>
      tpu.enqueue_dma source(%dma_start3A_8 : memref<512xi32, #tpu.memory_space<hbm>>) target(%arg7 : memref<512xi32, #tpu.memory_space<vmem>>) target_semaphore(%run_scoped3A : memref<!tpu.dma_semaphore, #tpu.memory_space<semaphore_mem>>)
      %dma_wait3A = tpu.memref_slice %arg2[%mul3A_2] : memref<16384xi32, #tpu.memory_space<hbm>> -> memref<512xi32, #tpu.memory_space<hbm>>
      %dma_wait3A_9 = tpu.memref_slice %arg2[%mul3A_2] : memref<16384xi32, #tpu.memory_space<hbm>> -> memref<512xi32, #tpu.memory_space<hbm>>
      tpu.wait_dma2 semaphore(%run_scoped3A : memref<!tpu.dma_semaphore, #tpu.memory_space<semaphore_mem>>) src(%dma_wait3A_9 : memref<512xi32, #tpu.memory_space<hbm>>) dst(%arg7 : memref<512xi32, #tpu.memory_space<vmem>>)
      tpu.yield
    }) : () -> ()
    "tpu.region"() ({
      %run_scoped3A = tpu.sem_alloc : memref<!tpu.dma_semaphore, #tpu.memory_space<semaphore_mem>>
      %dma_start3A = tpu.memref_slice %arg3[%mul3A_2] : memref<16384xi32, #tpu.memory_space<hbm>> -> memref<512xi32, #tpu.memory_space<hbm>>
      %dma_start3A_8 = tpu.memref_slice %arg3[%mul3A_2] : memref<16384xi32, #tpu.memory_space<hbm>> -> memref<512xi32, #tpu.memory_space<hbm>>
      tpu.enqueue_dma source(%dma_start3A_8 : memref<512xi32, #tpu.memory_space<hbm>>) target(%arg8 : memref<512xi32, #tpu.memory_space<vmem>>) target_semaphore(%run_scoped3A : memref<!tpu.dma_semaphore, #tpu.memory_space<semaphore_mem>>)
      %dma_wait3A = tpu.memref_slice %arg3[%mul3A_2] : memref<16384xi32, #tpu.memory_space<hbm>> -> memref<512xi32, #tpu.memory_space<hbm>>
      %dma_wait3A_9 = tpu.memref_slice %arg3[%mul3A_2] : memref<16384xi32, #tpu.memory_space<hbm>> -> memref<512xi32, #tpu.memory_space<hbm>>
      tpu.wait_dma2 semaphore(%run_scoped3A : memref<!tpu.dma_semaphore, #tpu.memory_space<semaphore_mem>>) src(%dma_wait3A_9 : memref<512xi32, #tpu.memory_space<hbm>>) dst(%arg8 : memref<512xi32, #tpu.memory_space<vmem>>)
      tpu.yield
    }) : () -> ()
    %iota3A = tpu.iota {dimensions = array<i32: 0>} : vector<16xi32>
    %scan3A = arith.constant 0 : i32
    %scan3A_3 = arith.constant 0 : i32
    %scan3A_4 = arith.constant 32 : i32
    %scan3A_5 = arith.addi %scan3A_3, %scan3A_4 : i32
    %scan3A_6 = arith.constant 1 : i32
    scf.for %scan3A_8 = %scan3A_3 to %scan3A_5 step %scan3A_6  : i32 {
      %mul3A_9 = arith.constant 16 : i32
      %mul3A_10 = arith.muli %scan3A_8, %mul3A_9 : i32
      %add3A_11 = arith.constant 0 : i32
      %add3A_12 = arith.addi %mul3A_10, %add3A_11 : i32
      %get3A = arith.index_cast %add3A_12 : i32 to index
      %get3A_13 = tpu.vector_load %arg7[%get3A] {strides = array<i32>} : memref<512xi32, #tpu.memory_space<vmem>>, vector<16xi32>,
      %add3A_14 = arith.constant 0 : i32
      %add3A_15 = arith.addi %mul3A_10, %add3A_14 : i32
      %get3A_16 = arith.index_cast %add3A_15 : i32 to index
      %get3A_17 = tpu.vector_load %arg8[%get3A_16] {strides = array<i32>} : memref<512xi32, #tpu.memory_space<vmem>>, vector<16xi32>,
      %slice3A = vector.extract_strided_slice %get3A_13 {offsets = [0], sizes = [1], strides = [1]} : vector<16xi32> to vector<1xi32>
      %squeeze3A = vector.extract %slice3A[0] : i32 from vector<1xi32>
      %dma_start3A = arith.constant 0 : i32
      %dma_start3A_18 = arith.constant 0 : i32
      %dma_start3A_19 = tpu.memref_slice %arg9[%dma_start3A, %dma_start3A_18] : memref<16x64xf32, #tpu.memory_space<vmem>> -> memref<1x64xf32, #tpu.memory_space<vmem>>
      %dma_start3A_20 = arith.constant 0 : i32
      %dma_start3A_21 = tpu.memref_slice %arg4[%squeeze3A, %dma_start3A_20] : memref<1000000x64xf32, #tpu.memory_space<hbm>> -> memref<1x64xf32, #tpu.memory_space<hbm>>
      %dma_start3A_22 = arith.constant 0 : i32
      %dma_start3A_23 = arith.constant 0 : i32
      %dma_start3A_24 = tpu.memref_slice %arg9[%dma_start3A_22, %dma_start3A_23] : memref<16x64xf32, #tpu.memory_space<vmem>> -> memref<1x64xf32, #tpu.memory_space<vmem>>
      %dma_start3A_25 = arith.constant 0 : i32
      %dma_start3A_26 = tpu.memref_slice %arg4[%squeeze3A, %dma_start3A_25] : memref<1000000x64xf32, #tpu.memory_space<hbm>> -> memref<1x64xf32, #tpu.memory_space<hbm>>
      tpu.enqueue_dma source(%dma_start3A_26 : memref<1x64xf32, #tpu.memory_space<hbm>>) target(%dma_start3A_24 : memref<1x64xf32, #tpu.memory_space<vmem>>) target_semaphore(%arg12 : memref<!tpu.dma_semaphore, #tpu.memory_space<semaphore_mem>>)
      %slice3A_27 = vector.extract_strided_slice %get3A_17 {offsets = [0], sizes = [1], strides = [1]} : vector<16xi32> to vector<1xi32>
      %squeeze3A_28 = vector.extract %slice3A_27[0] : i32 from vector<1xi32>
      %dma_start3A_29 = arith.constant 0 : i32
      %dma_start3A_30 = arith.constant 0 : i32
      %dma_start3A_31 = tpu.memref_slice %arg10[%dma_start3A_29, %dma_start3A_30] : memref<16x64xf32, #tpu.memory_space<vmem>> -> memref<1x64xf32, #tpu.memory_space<vmem>>
      %dma_start3A_32 = arith.constant 0 : i32
      %dma_start3A_33 = tpu.memref_slice %arg5[%squeeze3A_28, %dma_start3A_32] : memref<1000000x64xf32, #tpu.memory_space<hbm>> -> memref<1x64xf32, #tpu.memory_space<hbm>>
      %dma_start3A_34 = arith.constant 0 : i32
      %dma_start3A_35 = arith.constant 0 : i32
      %dma_start3A_36 = tpu.memref_slice %arg10[%dma_start3A_34, %dma_start3A_35] : memref<16x64xf32, #tpu.memory_space<vmem>> -> memref<1x64xf32, #tpu.memory_space<vmem>>
      %dma_start3A_37 = arith.constant 0 : i32
      %dma_start3A_38 = tpu.memref_slice %arg5[%squeeze3A_28, %dma_start3A_37] : memref<1000000x64xf32, #tpu.memory_space<hbm>> -> memref<1x64xf32, #tpu.memory_space<hbm>>
      tpu.enqueue_dma source(%dma_start3A_38 : memref<1x64xf32, #tpu.memory_space<hbm>>) target(%dma_start3A_36 : memref<1x64xf32, #tpu.memory_space<vmem>>) target_semaphore(%arg13 : memref<!tpu.dma_semaphore, #tpu.memory_space<semaphore_mem>>)
      %slice3A_39 = vector.extract_strided_slice %get3A_13 {offsets = [1], sizes = [1], strides = [1]} : vector<16xi32> to vector<1xi32>
      %squeeze3A_40 = vector.extract %slice3A_39[0] : i32 from vector<1xi32>
      %dma_start3A_41 = arith.constant 1 : i32
      %dma_start3A_42 = arith.constant 0 : i32
      %dma_start3A_43 = tpu.memref_slice %arg9[%dma_start3A_41, %dma_start3A_42] : memref<16x64xf32, #tpu.memory_space<vmem>> -> memref<1x64xf32, #tpu.memory_space<vmem>>
      %dma_start3A_44 = arith.constant 0 : i32
      %dma_start3A_45 = tpu.memref_slice %arg4[%squeeze3A_40, %dma_start3A_44] : memref<1000000x64xf32, #tpu.memory_space<hbm>> -> memref<1x64xf32, #tpu.memory_space<hbm>>
      %dma_start3A_46 = arith.constant 1 : i32
      %dma_start3A_47 = arith.constant 0 : i32
      %dma_start3A_48 = tpu.memref_slice %arg9[%dma_start3A_46, %dma_start3A_47] : memref<16x64xf32, #tpu.memory_space<vmem>> -> memref<1x64xf32, #tpu.memory_space<vmem>>
      %dma_start3A_49 = arith.constant 0 : i32
      %dma_start3A_50 = tpu.memref_slice %arg4[%squeeze3A_40, %dma_start3A_49] : memref<1000000x64xf32, #tpu.memory_space<hbm>> -> memref<1x64xf32, #tpu.memory_space<hbm>>
      tpu.enqueue_dma source(%dma_start3A_50 : memref<1x64xf32, #tpu.memory_space<hbm>>) target(%dma_start3A_48 : memref<1x64xf32, #tpu.memory_space<vmem>>) target_semaphore(%arg12 : memref<!tpu.dma_semaphore, #tpu.memory_space<semaphore_mem>>)
      %slice3A_51 = vector.extract_strided_slice %get3A_17 {offsets = [1], sizes = [1], strides = [1]} : vector<16xi32> to vector<1xi32>
      %squeeze3A_52 = vector.extract %slice3A_51[0] : i32 from vector<1xi32>
      %dma_start3A_53 = arith.constant 1 : i32
      %dma_start3A_54 = arith.constant 0 : i32
      %dma_start3A_55 = tpu.memref_slice %arg10[%dma_start3A_53, %dma_start3A_54] : memref<16x64xf32, #tpu.memory_space<vmem>> -> memref<1x64xf32, #tpu.memory_space<vmem>>
      %dma_start3A_56 = arith.constant 0 : i32
      %dma_start3A_57 = tpu.memref_slice %arg5[%squeeze3A_52, %dma_start3A_56] : memref<1000000x64xf32, #tpu.memory_space<hbm>> -> memref<1x64xf32, #tpu.memory_space<hbm>>
      %dma_start3A_58 = arith.constant 1 : i32
      %dma_start3A_59 = arith.constant 0 : i32
      %dma_start3A_60 = tpu.memref_slice %arg10[%dma_start3A_58, %dma_start3A_59] : memref<16x64xf32, #tpu.memory_space<vmem>> -> memref<1x64xf32, #tpu.memory_space<vmem>>
      %dma_start3A_61 = arith.constant 0 : i32
      %dma_start3A_62 = tpu.memref_slice %arg5[%squeeze3A_52, %dma_start3A_61] : memref<1000000x64xf32, #tpu.memory_space<hbm>> -> memref<1x64xf32, #tpu.memory_space<hbm>>
      tpu.enqueue_dma source(%dma_start3A_62 : memref<1x64xf32, #tpu.memory_space<hbm>>) target(%dma_start3A_60 : memref<1x64xf32, #tpu.memory_space<vmem>>) target_semaphore(%arg13 : memref<!tpu.dma_semaphore, #tpu.memory_space<semaphore_mem>>)
      %slice3A_63 = vector.extract_strided_slice %get3A_13 {offsets = [2], sizes = [1], strides = [1]} : vector<16xi32> to vector<1xi32>
      %squeeze3A_64 = vector.extract %slice3A_63[0] : i32 from vector<1xi32>
      %dma_start3A_65 = arith.constant 2 : i32
      %dma_start3A_66 = arith.constant 0 : i32
      %dma_start3A_67 = tpu.memref_slice %arg9[%dma_start3A_65, %dma_start3A_66] : memref<16x64xf32, #tpu.memory_space<vmem>> -> memref<1x64xf32, #tpu.memory_space<vmem>>
      %dma_start3A_68 = arith.constant 0 : i32
      %dma_start3A_69 = tpu.memref_slice %arg4[%squeeze3A_64, %dma_start3A_68] : memref<1000000x64xf32, #tpu.memory_space<hbm>> -> memref<1x64xf32, #tpu.memory_space<hbm>>
      %dma_start3A_70 = arith.constant 2 : i32
      %dma_start3A_71 = arith.constant 0 : i32
      %dma_start3A_72 = tpu.memref_slice %arg9[%dma_start3A_70, %dma_start3A_71] : memref<16x64xf32, #tpu.memory_space<vmem>> -> memref<1x64xf32, #tpu.memory_space<vmem>>
      %dma_start3A_73 = arith.constant 0 : i32
      %dma_start3A_74 = tpu.memref_slice %arg4[%squeeze3A_64, %dma_start3A_73] : memref<1000000x64xf32, #tpu.memory_space<hbm>> -> memref<1x64xf32, #tpu.memory_space<hbm>>
      tpu.enqueue_dma source(%dma_start3A_74 : memref<1x64xf32, #tpu.memory_space<hbm>>) target(%dma_start3A_72 : memref<1x64xf32, #tpu.memory_space<vmem>>) target_semaphore(%arg12 : memref<!tpu.dma_semaphore, #tpu.memory_space<semaphore_mem>>)
      %slice3A_75 = vector.extract_strided_slice %get3A_17 {offsets = [2], sizes = [1], strides = [1]} : vector<16xi32> to vector<1xi32>
      %squeeze3A_76 = vector.extract %slice3A_75[0] : i32 from vector<1xi32>
      %dma_start3A_77 = arith.constant 2 : i32
      %dma_start3A_78 = arith.constant 0 : i32
      %dma_start3A_79 = tpu.memref_slice %arg10[%dma_start3A_77, %dma_start3A_78] : memref<16x64xf32, #tpu.memory_space<vmem>> -> memref<1x64xf32, #tpu.memory_space<vmem>>
      %dma_start3A_80 = arith.constant 0 : i32
      %dma_start3A_81 = tpu.memref_slice %arg5[%squeeze3A_76, %dma_start3A_80] : memref<1000000x64xf32, #tpu.memory_space<hbm>> -> memref<1x64xf32, #tpu.memory_space<hbm>>
      %dma_start3A_82 = arith.constant 2 : i32
      %dma_start3A_83 = arith.constant 0 : i32
      %dma_start3A_84 = tpu.memref_slice %arg10[%dma_start3A_82, %dma_start3A_83] : memref<16x64xf32, #tpu.memory_space<vmem>> -> memref<1x64xf32, #tpu.memory_space<vmem>>
      %dma_start3A_85 = arith.constant 0 : i32
      %dma_start3A_86 = tpu.memref_slice %arg5[%squeeze3A_76, %dma_start3A_85] : memref<1000000x64xf32, #tpu.memory_space<hbm>> -> memref<1x64xf32, #tpu.memory_space<hbm>>
      tpu.enqueue_dma source(%dma_start3A_86 : memref<1x64xf32, #tpu.memory_space<hbm>>) target(%dma_start3A_84 : memref<1x64xf32, #tpu.memory_space<vmem>>) target_semaphore(%arg13 : memref<!tpu.dma_semaphore, #tpu.memory_space<semaphore_mem>>)
      %slice3A_87 = vector.extract_strided_slice %get3A_13 {offsets = [3], sizes = [1], strides = [1]} : vector<16xi32> to vector<1xi32>
      %squeeze3A_88 = vector.extract %slice3A_87[0] : i32 from vector<1xi32>
      %dma_start3A_89 = arith.constant 3 : i32
      %dma_start3A_90 = arith.constant 0 : i32
      %dma_start3A_91 = tpu.memref_slice %arg9[%dma_start3A_89, %dma_start3A_90] : memref<16x64xf32, #tpu.memory_space<vmem>> -> memref<1x64xf32, #tpu.memory_space<vmem>>
      %dma_start3A_92 = arith.constant 0 : i32
      %dma_start3A_93 = tpu.memref_slice %arg4[%squeeze3A_88, %dma_start3A_92] : memref<1000000x64xf32, #tpu.memory_space<hbm>> -> memref<1x64xf32, #tpu.memory_space<hbm>>
      %dma_start3A_94 = arith.constant 3 : i32
      %dma_start3A_95 = arith.constant 0 : i32
      %dma_start3A_96 = tpu.memref_slice %arg9[%dma_start3A_94, %dma_start3A_95] : memref<16x64xf32, #tpu.memory_space<vmem>> -> memref<1x64xf32, #tpu.memory_space<vmem>>
      %dma_start3A_97 = arith.constant 0 : i32
      %dma_start3A_98 = tpu.memref_slice %arg4[%squeeze3A_88, %dma_start3A_97] : memref<1000000x64xf32, #tpu.memory_space<hbm>> -> memref<1x64xf32, #tpu.memory_space<hbm>>
      tpu.enqueue_dma source(%dma_start3A_98 : memref<1x64xf32, #tpu.memory_space<hbm>>) target(%dma_start3A_96 : memref<1x64xf32, #tpu.memory_space<vmem>>) target_semaphore(%arg12 : memref<!tpu.dma_semaphore, #tpu.memory_space<semaphore_mem>>)
      %slice3A_99 = vector.extract_strided_slice %get3A_17 {offsets = [3], sizes = [1], strides = [1]} : vector<16xi32> to vector<1xi32>
      %squeeze3A_100 = vector.extract %slice3A_99[0] : i32 from vector<1xi32>
      %dma_start3A_101 = arith.constant 3 : i32
      %dma_start3A_102 = arith.constant 0 : i32
      %dma_start3A_103 = tpu.memref_slice %arg10[%dma_start3A_101, %dma_start3A_102] : memref<16x64xf32, #tpu.memory_space<vmem>> -> memref<1x64xf32, #tpu.memory_space<vmem>>
      %dma_start3A_104 = arith.constant 0 : i32
      %dma_start3A_105 = tpu.memref_slice %arg5[%squeeze3A_100, %dma_start3A_104] : memref<1000000x64xf32, #tpu.memory_space<hbm>> -> memref<1x64xf32, #tpu.memory_space<hbm>>
      %dma_start3A_106 = arith.constant 3 : i32
      %dma_start3A_107 = arith.constant 0 : i32
      %dma_start3A_108 = tpu.memref_slice %arg10[%dma_start3A_106, %dma_start3A_107] : memref<16x64xf32, #tpu.memory_space<vmem>> -> memref<1x64xf32, #tpu.memory_space<vmem>>
      %dma_start3A_109 = arith.constant 0 : i32
      %dma_start3A_110 = tpu.memref_slice %arg5[%squeeze3A_100, %dma_start3A_109] : memref<1000000x64xf32, #tpu.memory_space<hbm>> -> memref<1x64xf32, #tpu.memory_space<hbm>>
      tpu.enqueue_dma source(%dma_start3A_110 : memref<1x64xf32, #tpu.memory_space<hbm>>) target(%dma_start3A_108 : memref<1x64xf32, #tpu.memory_space<vmem>>) target_semaphore(%arg13 : memref<!tpu.dma_semaphore, #tpu.memory_space<semaphore_mem>>)
      %slice3A_111 = vector.extract_strided_slice %get3A_13 {offsets = [4], sizes = [1], strides = [1]} : vector<16xi32> to vector<1xi32>
      %squeeze3A_112 = vector.extract %slice3A_111[0] : i32 from vector<1xi32>
      %dma_start3A_113 = arith.constant 4 : i32
      %dma_start3A_114 = arith.constant 0 : i32
      %dma_start3A_115 = tpu.memref_slice %arg9[%dma_start3A_113, %dma_start3A_114] : memref<16x64xf32, #tpu.memory_space<vmem>> -> memref<1x64xf32, #tpu.memory_space<vmem>>
      %dma_start3A_116 = arith.constant 0 : i32
      %dma_start3A_117 = tpu.memref_slice %arg4[%squeeze3A_112, %dma_start3A_116] : memref<1000000x64xf32, #tpu.memory_space<hbm>> -> memref<1x64xf32, #tpu.memory_space<hbm>>
      %dma_start3A_118 = arith.constant 4 : i32
      %dma_start3A_119 = arith.constant 0 : i32
      %dma_start3A_120 = tpu.memref_slice %arg9[%dma_start3A_118, %dma_start3A_119] : memref<16x64xf32, #tpu.memory_space<vmem>> -> memref<1x64xf32, #tpu.memory_space<vmem>>
      %dma_start3A_121 = arith.constant 0 : i32
      %dma_start3A_122 = tpu.memref_slice %arg4[%squeeze3A_112, %dma_start3A_121] : memref<1000000x64xf32, #tpu.memory_space<hbm>> -> memref<1x64xf32, #tpu.memory_space<hbm>>
      tpu.enqueue_dma source(%dma_start3A_122 : memref<1x64xf32, #tpu.memory_space<hbm>>) target(%dma_start3A_120 : memref<1x64xf32, #tpu.memory_space<vmem>>) target_semaphore(%arg12 : memref<!tpu.dma_semaphore, #tpu.memory_space<semaphore_mem>>)
      %slice3A_123 = vector.extract_strided_slice %get3A_17 {offsets = [4], sizes = [1], strides = [1]} : vector<16xi32> to vector<1xi32>
      %squeeze3A_124 = vector.extract %slice3A_123[0] : i32 from vector<1xi32>
      %dma_start3A_125 = arith.constant 4 : i32
      %dma_start3A_126 = arith.constant 0 : i32
      %dma_start3A_127 = tpu.memref_slice %arg10[%dma_start3A_125, %dma_start3A_126] : memref<16x64xf32, #tpu.memory_space<vmem>> -> memref<1x64xf32, #tpu.memory_space<vmem>>
      %dma_start3A_128 = arith.constant 0 : i32
      %dma_start3A_129 = tpu.memref_slice %arg5[%squeeze3A_124, %dma_start3A_128] : memref<1000000x64xf32, #tpu.memory_space<hbm>> -> memref<1x64xf32, #tpu.memory_space<hbm>>
      %dma_start3A_130 = arith.constant 4 : i32
      %dma_start3A_131 = arith.constant 0 : i32
      %dma_start3A_132 = tpu.memref_slice %arg10[%dma_start3A_130, %dma_start3A_131] : memref<16x64xf32, #tpu.memory_space<vmem>> -> memref<1x64xf32, #tpu.memory_space<vmem>>
      %dma_start3A_133 = arith.constant 0 : i32
      %dma_start3A_134 = tpu.memref_slice %arg5[%squeeze3A_124, %dma_start3A_133] : memref<1000000x64xf32, #tpu.memory_space<hbm>> -> memref<1x64xf32, #tpu.memory_space<hbm>>
      tpu.enqueue_dma source(%dma_start3A_134 : memref<1x64xf32, #tpu.memory_space<hbm>>) target(%dma_start3A_132 : memref<1x64xf32, #tpu.memory_space<vmem>>) target_semaphore(%arg13 : memref<!tpu.dma_semaphore, #tpu.memory_space<semaphore_mem>>)
      %slice3A_135 = vector.extract_strided_slice %get3A_13 {offsets = [5], sizes = [1], strides = [1]} : vector<16xi32> to vector<1xi32>
      %squeeze3A_136 = vector.extract %slice3A_135[0] : i32 from vector<1xi32>
      %dma_start3A_137 = arith.constant 5 : i32
      %dma_start3A_138 = arith.constant 0 : i32
      %dma_start3A_139 = tpu.memref_slice %arg9[%dma_start3A_137, %dma_start3A_138] : memref<16x64xf32, #tpu.memory_space<vmem>> -> memref<1x64xf32, #tpu.memory_space<vmem>>
      %dma_start3A_140 = arith.constant 0 : i32
      %dma_start3A_141 = tpu.memref_slice %arg4[%squeeze3A_136, %dma_start3A_140] : memref<1000000x64xf32, #tpu.memory_space<hbm>> -> memref<1x64xf32, #tpu.memory_space<hbm>>
      %dma_start3A_142 = arith.constant 5 : i32
      %dma_start3A_143 = arith.constant 0 : i32
      %dma_start3A_144 = tpu.memref_slice %arg9[%dma_start3A_142, %dma_start3A_143] : memref<16x64xf32, #tpu.memory_space<vmem>> -> memref<1x64xf32, #tpu.memory_space<vmem>>
      %dma_start3A_145 = arith.constant 0 : i32
      %dma_start3A_146 = tpu.memref_slice %arg4[%squeeze3A_136, %dma_start3A_145] : memref<1000000x64xf32, #tpu.memory_space<hbm>> -> memref<1x64xf32, #tpu.memory_space<hbm>>
      tpu.enqueue_dma source(%dma_start3A_146 : memref<1x64xf32, #tpu.memory_space<hbm>>) target(%dma_start3A_144 : memref<1x64xf32, #tpu.memory_space<vmem>>) target_semaphore(%arg12 : memref<!tpu.dma_semaphore, #tpu.memory_space<semaphore_mem>>)
      %slice3A_147 = vector.extract_strided_slice %get3A_17 {offsets = [5], sizes = [1], strides = [1]} : vector<16xi32> to vector<1xi32>
      %squeeze3A_148 = vector.extract %slice3A_147[0] : i32 from vector<1xi32>
      %dma_start3A_149 = arith.constant 5 : i32
      %dma_start3A_150 = arith.constant 0 : i32
      %dma_start3A_151 = tpu.memref_slice %arg10[%dma_start3A_149, %dma_start3A_150] : memref<16x64xf32, #tpu.memory_space<vmem>> -> memref<1x64xf32, #tpu.memory_space<vmem>>
      %dma_start3A_152 = arith.constant 0 : i32
      %dma_start3A_153 = tpu.memref_slice %arg5[%squeeze3A_148, %dma_start3A_152] : memref<1000000x64xf32, #tpu.memory_space<hbm>> -> memref<1x64xf32, #tpu.memory_space<hbm>>
      %dma_start3A_154 = arith.constant 5 : i32
      %dma_start3A_155 = arith.constant 0 : i32
      %dma_start3A_156 = tpu.memref_slice %arg10[%dma_start3A_154, %dma_start3A_155] : memref<16x64xf32, #tpu.memory_space<vmem>> -> memref<1x64xf32, #tpu.memory_space<vmem>>
      %dma_start3A_157 = arith.constant 0 : i32
      %dma_start3A_158 = tpu.memref_slice %arg5[%squeeze3A_148, %dma_start3A_157] : memref<1000000x64xf32, #tpu.memory_space<hbm>> -> memref<1x64xf32, #tpu.memory_space<hbm>>
      tpu.enqueue_dma source(%dma_start3A_158 : memref<1x64xf32, #tpu.memory_space<hbm>>) target(%dma_start3A_156 : memref<1x64xf32, #tpu.memory_space<vmem>>) target_semaphore(%arg13 : memref<!tpu.dma_semaphore, #tpu.memory_space<semaphore_mem>>)
      %slice3A_159 = vector.extract_strided_slice %get3A_13 {offsets = [6], sizes = [1], strides = [1]} : vector<16xi32> to vector<1xi32>
      %squeeze3A_160 = vector.extract %slice3A_159[0] : i32 from vector<1xi32>
      %dma_start3A_161 = arith.constant 6 : i32
      %dma_start3A_162 = arith.constant 0 : i32
      %dma_start3A_163 = tpu.memref_slice %arg9[%dma_start3A_161, %dma_start3A_162] : memref<16x64xf32, #tpu.memory_space<vmem>> -> memref<1x64xf32, #tpu.memory_space<vmem>>
      %dma_start3A_164 = arith.constant 0 : i32
      %dma_start3A_165 = tpu.memref_slice %arg4[%squeeze3A_160, %dma_start3A_164] : memref<1000000x64xf32, #tpu.memory_space<hbm>> -> memref<1x64xf32, #tpu.memory_space<hbm>>
      %dma_start3A_166 = arith.constant 6 : i32
      %dma_start3A_167 = arith.constant 0 : i32
      %dma_start3A_168 = tpu.memref_slice %arg9[%dma_start3A_166, %dma_start3A_167] : memref<16x64xf32, #tpu.memory_space<vmem>> -> memref<1x64xf32, #tpu.memory_space<vmem>>
      %dma_start3A_169 = arith.constant 0 : i32
      %dma_start3A_170 = tpu.memref_slice %arg4[%squeeze3A_160, %dma_start3A_169] : memref<1000000x64xf32, #tpu.memory_space<hbm>> -> memref<1x64xf32, #tpu.memory_space<hbm>>
      tpu.enqueue_dma source(%dma_start3A_170 : memref<1x64xf32, #tpu.memory_space<hbm>>) target(%dma_start3A_168 : memref<1x64xf32, #tpu.memory_space<vmem>>) target_semaphore(%arg12 : memref<!tpu.dma_semaphore, #tpu.memory_space<semaphore_mem>>)
      %slice3A_171 = vector.extract_strided_slice %get3A_17 {offsets = [6], sizes = [1], strides = [1]} : vector<16xi32> to vector<1xi32>
      %squeeze3A_172 = vector.extract %slice3A_171[0] : i32 from vector<1xi32>
      %dma_start3A_173 = arith.constant 6 : i32
      %dma_start3A_174 = arith.constant 0 : i32
      %dma_start3A_175 = tpu.memref_slice %arg10[%dma_start3A_173, %dma_start3A_174] : memref<16x64xf32, #tpu.memory_space<vmem>> -> memref<1x64xf32, #tpu.memory_space<vmem>>
      %dma_start3A_176 = arith.constant 0 : i32
      %dma_start3A_177 = tpu.memref_slice %arg5[%squeeze3A_172, %dma_start3A_176] : memref<1000000x64xf32, #tpu.memory_space<hbm>> -> memref<1x64xf32, #tpu.memory_space<hbm>>
      %dma_start3A_178 = arith.constant 6 : i32
      %dma_start3A_179 = arith.constant 0 : i32
      %dma_start3A_180 = tpu.memref_slice %arg10[%dma_start3A_178, %dma_start3A_179] : memref<16x64xf32, #tpu.memory_space<vmem>> -> memref<1x64xf32, #tpu.memory_space<vmem>>
      %dma_start3A_181 = arith.constant 0 : i32
      %dma_start3A_182 = tpu.memref_slice %arg5[%squeeze3A_172, %dma_start3A_181] : memref<1000000x64xf32, #tpu.memory_space<hbm>> -> memref<1x64xf32, #tpu.memory_space<hbm>>
      tpu.enqueue_dma source(%dma_start3A_182 : memref<1x64xf32, #tpu.memory_space<hbm>>) target(%dma_start3A_180 : memref<1x64xf32, #tpu.memory_space<vmem>>) target_semaphore(%arg13 : memref<!tpu.dma_semaphore, #tpu.memory_space<semaphore_mem>>)
      %slice3A_183 = vector.extract_strided_slice %get3A_13 {offsets = [7], sizes = [1], strides = [1]} : vector<16xi32> to vector<1xi32>
      %squeeze3A_184 = vector.extract %slice3A_183[0] : i32 from vector<1xi32>
      %dma_start3A_185 = arith.constant 7 : i32
      %dma_start3A_186 = arith.constant 0 : i32
      %dma_start3A_187 = tpu.memref_slice %arg9[%dma_start3A_185, %dma_start3A_186] : memref<16x64xf32, #tpu.memory_space<vmem>> -> memref<1x64xf32, #tpu.memory_space<vmem>>
      %dma_start3A_188 = arith.constant 0 : i32
      %dma_start3A_189 = tpu.memref_slice %arg4[%squeeze3A_184, %dma_start3A_188] : memref<1000000x64xf32, #tpu.memory_space<hbm>> -> memref<1x64xf32, #tpu.memory_space<hbm>>
      %dma_start3A_190 = arith.constant 7 : i32
      %dma_start3A_191 = arith.constant 0 : i32
      %dma_start3A_192 = tpu.memref_slice %arg9[%dma_start3A_190, %dma_start3A_191] : memref<16x64xf32, #tpu.memory_space<vmem>> -> memref<1x64xf32, #tpu.memory_space<vmem>>
      %dma_start3A_193 = arith.constant 0 : i32
      %dma_start3A_194 = tpu.memref_slice %arg4[%squeeze3A_184, %dma_start3A_193] : memref<1000000x64xf32, #tpu.memory_space<hbm>> -> memref<1x64xf32, #tpu.memory_space<hbm>>
      tpu.enqueue_dma source(%dma_start3A_194 : memref<1x64xf32, #tpu.memory_space<hbm>>) target(%dma_start3A_192 : memref<1x64xf32, #tpu.memory_space<vmem>>) target_semaphore(%arg12 : memref<!tpu.dma_semaphore, #tpu.memory_space<semaphore_mem>>)
      %slice3A_195 = vector.extract_strided_slice %get3A_17 {offsets = [7], sizes = [1], strides = [1]} : vector<16xi32> to vector<1xi32>
      %squeeze3A_196 = vector.extract %slice3A_195[0] : i32 from vector<1xi32>
      %dma_start3A_197 = arith.constant 7 : i32
      %dma_start3A_198 = arith.constant 0 : i32
      %dma_start3A_199 = tpu.memref_slice %arg10[%dma_start3A_197, %dma_start3A_198] : memref<16x64xf32, #tpu.memory_space<vmem>> -> memref<1x64xf32, #tpu.memory_space<vmem>>
      %dma_start3A_200 = arith.constant 0 : i32
      %dma_start3A_201 = tpu.memref_slice %arg5[%squeeze3A_196, %dma_start3A_200] : memref<1000000x64xf32, #tpu.memory_space<hbm>> -> memref<1x64xf32, #tpu.memory_space<hbm>>
      %dma_start3A_202 = arith.constant 7 : i32
      %dma_start3A_203 = arith.constant 0 : i32
      %dma_start3A_204 = tpu.memref_slice %arg10[%dma_start3A_202, %dma_start3A_203] : memref<16x64xf32, #tpu.memory_space<vmem>> -> memref<1x64xf32, #tpu.memory_space<vmem>>
      %dma_start3A_205 = arith.constant 0 : i32
      %dma_start3A_206 = tpu.memref_slice %arg5[%squeeze3A_196, %dma_start3A_205] : memref<1000000x64xf32, #tpu.memory_space<hbm>> -> memref<1x64xf32, #tpu.memory_space<hbm>>
      tpu.enqueue_dma source(%dma_start3A_206 : memref<1x64xf32, #tpu.memory_space<hbm>>) target(%dma_start3A_204 : memref<1x64xf32, #tpu.memory_space<vmem>>) target_semaphore(%arg13 : memref<!tpu.dma_semaphore, #tpu.memory_space<semaphore_mem>>)
      %slice3A_207 = vector.extract_strided_slice %get3A_13 {offsets = [8], sizes = [1], strides = [1]} : vector<16xi32> to vector<1xi32>
      %squeeze3A_208 = vector.extract %slice3A_207[0] : i32 from vector<1xi32>
      %dma_start3A_209 = arith.constant 8 : i32
      %dma_start3A_210 = arith.constant 0 : i32
      %dma_start3A_211 = tpu.memref_slice %arg9[%dma_start3A_209, %dma_start3A_210] : memref<16x64xf32, #tpu.memory_space<vmem>> -> memref<1x64xf32, #tpu.memory_space<vmem>>
      %dma_start3A_212 = arith.constant 0 : i32
      %dma_start3A_213 = tpu.memref_slice %arg4[%squeeze3A_208, %dma_start3A_212] : memref<1000000x64xf32, #tpu.memory_space<hbm>> -> memref<1x64xf32, #tpu.memory_space<hbm>>
      %dma_start3A_214 = arith.constant 8 : i32
      %dma_start3A_215 = arith.constant 0 : i32
      %dma_start3A_216 = tpu.memref_slice %arg9[%dma_start3A_214, %dma_start3A_215] : memref<16x64xf32, #tpu.memory_space<vmem>> -> memref<1x64xf32, #tpu.memory_space<vmem>>
      %dma_start3A_217 = arith.constant 0 : i32
      %dma_start3A_218 = tpu.memref_slice %arg4[%squeeze3A_208, %dma_start3A_217] : memref<1000000x64xf32, #tpu.memory_space<hbm>> -> memref<1x64xf32, #tpu.memory_space<hbm>>
      tpu.enqueue_dma source(%dma_start3A_218 : memref<1x64xf32, #tpu.memory_space<hbm>>) target(%dma_start3A_216 : memref<1x64xf32, #tpu.memory_space<vmem>>) target_semaphore(%arg12 : memref<!tpu.dma_semaphore, #tpu.memory_space<semaphore_mem>>)
      %slice3A_219 = vector.extract_strided_slice %get3A_17 {offsets = [8], sizes = [1], strides = [1]} : vector<16xi32> to vector<1xi32>
      %squeeze3A_220 = vector.extract %slice3A_219[0] : i32 from vector<1xi32>
      %dma_start3A_221 = arith.constant 8 : i32
      %dma_start3A_222 = arith.constant 0 : i32
      %dma_start3A_223 = tpu.memref_slice %arg10[%dma_start3A_221, %dma_start3A_222] : memref<16x64xf32, #tpu.memory_space<vmem>> -> memref<1x64xf32, #tpu.memory_space<vmem>>
      %dma_start3A_224 = arith.constant 0 : i32
      %dma_start3A_225 = tpu.memref_slice %arg5[%squeeze3A_220, %dma_start3A_224] : memref<1000000x64xf32, #tpu.memory_space<hbm>> -> memref<1x64xf32, #tpu.memory_space<hbm>>
      %dma_start3A_226 = arith.constant 8 : i32
      %dma_start3A_227 = arith.constant 0 : i32
      %dma_start3A_228 = tpu.memref_slice %arg10[%dma_start3A_226, %dma_start3A_227] : memref<16x64xf32, #tpu.memory_space<vmem>> -> memref<1x64xf32, #tpu.memory_space<vmem>>
      %dma_start3A_229 = arith.constant 0 : i32
      %dma_start3A_230 = tpu.memref_slice %arg5[%squeeze3A_220, %dma_start3A_229] : memref<1000000x64xf32, #tpu.memory_space<hbm>> -> memref<1x64xf32, #tpu.memory_space<hbm>>
      tpu.enqueue_dma source(%dma_start3A_230 : memref<1x64xf32, #tpu.memory_space<hbm>>) target(%dma_start3A_228 : memref<1x64xf32, #tpu.memory_space<vmem>>) target_semaphore(%arg13 : memref<!tpu.dma_semaphore, #tpu.memory_space<semaphore_mem>>)
      %slice3A_231 = vector.extract_strided_slice %get3A_13 {offsets = [9], sizes = [1], strides = [1]} : vector<16xi32> to vector<1xi32>
      %squeeze3A_232 = vector.extract %slice3A_231[0] : i32 from vector<1xi32>
      %dma_start3A_233 = arith.constant 9 : i32
      %dma_start3A_234 = arith.constant 0 : i32
      %dma_start3A_235 = tpu.memref_slice %arg9[%dma_start3A_233, %dma_start3A_234] : memref<16x64xf32, #tpu.memory_space<vmem>> -> memref<1x64xf32, #tpu.memory_space<vmem>>
      %dma_start3A_236 = arith.constant 0 : i32
      %dma_start3A_237 = tpu.memref_slice %arg4[%squeeze3A_232, %dma_start3A_236] : memref<1000000x64xf32, #tpu.memory_space<hbm>> -> memref<1x64xf32, #tpu.memory_space<hbm>>
      %dma_start3A_238 = arith.constant 9 : i32
      %dma_start3A_239 = arith.constant 0 : i32
      %dma_start3A_240 = tpu.memref_slice %arg9[%dma_start3A_238, %dma_start3A_239] : memref<16x64xf32, #tpu.memory_space<vmem>> -> memref<1x64xf32, #tpu.memory_space<vmem>>
      %dma_start3A_241 = arith.constant 0 : i32
      %dma_start3A_242 = tpu.memref_slice %arg4[%squeeze3A_232, %dma_start3A_241] : memref<1000000x64xf32, #tpu.memory_space<hbm>> -> memref<1x64xf32, #tpu.memory_space<hbm>>
      tpu.enqueue_dma source(%dma_start3A_242 : memref<1x64xf32, #tpu.memory_space<hbm>>) target(%dma_start3A_240 : memref<1x64xf32, #tpu.memory_space<vmem>>) target_semaphore(%arg12 : memref<!tpu.dma_semaphore, #tpu.memory_space<semaphore_mem>>)
      %slice3A_243 = vector.extract_strided_slice %get3A_17 {offsets = [9], sizes = [1], strides = [1]} : vector<16xi32> to vector<1xi32>
      %squeeze3A_244 = vector.extract %slice3A_243[0] : i32 from vector<1xi32>
      %dma_start3A_245 = arith.constant 9 : i32
      %dma_start3A_246 = arith.constant 0 : i32
      %dma_start3A_247 = tpu.memref_slice %arg10[%dma_start3A_245, %dma_start3A_246] : memref<16x64xf32, #tpu.memory_space<vmem>> -> memref<1x64xf32, #tpu.memory_space<vmem>>
      %dma_start3A_248 = arith.constant 0 : i32
      %dma_start3A_249 = tpu.memref_slice %arg5[%squeeze3A_244, %dma_start3A_248] : memref<1000000x64xf32, #tpu.memory_space<hbm>> -> memref<1x64xf32, #tpu.memory_space<hbm>>
      %dma_start3A_250 = arith.constant 9 : i32
      %dma_start3A_251 = arith.constant 0 : i32
      %dma_start3A_252 = tpu.memref_slice %arg10[%dma_start3A_250, %dma_start3A_251] : memref<16x64xf32, #tpu.memory_space<vmem>> -> memref<1x64xf32, #tpu.memory_space<vmem>>
      %dma_start3A_253 = arith.constant 0 : i32
      %dma_start3A_254 = tpu.memref_slice %arg5[%squeeze3A_244, %dma_start3A_253] : memref<1000000x64xf32, #tpu.memory_space<hbm>> -> memref<1x64xf32, #tpu.memory_space<hbm>>
      tpu.enqueue_dma source(%dma_start3A_254 : memref<1x64xf32, #tpu.memory_space<hbm>>) target(%dma_start3A_252 : memref<1x64xf32, #tpu.memory_space<vmem>>) target_semaphore(%arg13 : memref<!tpu.dma_semaphore, #tpu.memory_space<semaphore_mem>>)
      %slice3A_255 = vector.extract_strided_slice %get3A_13 {offsets = [10], sizes = [1], strides = [1]} : vector<16xi32> to vector<1xi32>
      %squeeze3A_256 = vector.extract %slice3A_255[0] : i32 from vector<1xi32>
      %dma_start3A_257 = arith.constant 10 : i32
      %dma_start3A_258 = arith.constant 0 : i32
      %dma_start3A_259 = tpu.memref_slice %arg9[%dma_start3A_257, %dma_start3A_258] : memref<16x64xf32, #tpu.memory_space<vmem>> -> memref<1x64xf32, #tpu.memory_space<vmem>>
      %dma_start3A_260 = arith.constant 0 : i32
      %dma_start3A_261 = tpu.memref_slice %arg4[%squeeze3A_256, %dma_start3A_260] : memref<1000000x64xf32, #tpu.memory_space<hbm>> -> memref<1x64xf32, #tpu.memory_space<hbm>>
      %dma_start3A_262 = arith.constant 10 : i32
      %dma_start3A_263 = arith.constant 0 : i32
      %dma_start3A_264 = tpu.memref_slice %arg9[%dma_start3A_262, %dma_start3A_263] : memref<16x64xf32, #tpu.memory_space<vmem>> -> memref<1x64xf32, #tpu.memory_space<vmem>>
      %dma_start3A_265 = arith.constant 0 : i32
      %dma_start3A_266 = tpu.memref_slice %arg4[%squeeze3A_256, %dma_start3A_265] : memref<1000000x64xf32, #tpu.memory_space<hbm>> -> memref<1x64xf32, #tpu.memory_space<hbm>>
      tpu.enqueue_dma source(%dma_start3A_266 : memref<1x64xf32, #tpu.memory_space<hbm>>) target(%dma_start3A_264 : memref<1x64xf32, #tpu.memory_space<vmem>>) target_semaphore(%arg12 : memref<!tpu.dma_semaphore, #tpu.memory_space<semaphore_mem>>)
      %slice3A_267 = vector.extract_strided_slice %get3A_17 {offsets = [10], sizes = [1], strides = [1]} : vector<16xi32> to vector<1xi32>
      %squeeze3A_268 = vector.extract %slice3A_267[0] : i32 from vector<1xi32>
      %dma_start3A_269 = arith.constant 10 : i32
      %dma_start3A_270 = arith.constant 0 : i32
      %dma_start3A_271 = tpu.memref_slice %arg10[%dma_start3A_269, %dma_start3A_270] : memref<16x64xf32, #tpu.memory_space<vmem>> -> memref<1x64xf32, #tpu.memory_space<vmem>>
      %dma_start3A_272 = arith.constant 0 : i32
      %dma_start3A_273 = tpu.memref_slice %arg5[%squeeze3A_268, %dma_start3A_272] : memref<1000000x64xf32, #tpu.memory_space<hbm>> -> memref<1x64xf32, #tpu.memory_space<hbm>>
      %dma_start3A_274 = arith.constant 10 : i32
      %dma_start3A_275 = arith.constant 0 : i32
      %dma_start3A_276 = tpu.memref_slice %arg10[%dma_start3A_274, %dma_start3A_275] : memref<16x64xf32, #tpu.memory_space<vmem>> -> memref<1x64xf32, #tpu.memory_space<vmem>>
      %dma_start3A_277 = arith.constant 0 : i32
      %dma_start3A_278 = tpu.memref_slice %arg5[%squeeze3A_268, %dma_start3A_277] : memref<1000000x64xf32, #tpu.memory_space<hbm>> -> memref<1x64xf32, #tpu.memory_space<hbm>>
      tpu.enqueue_dma source(%dma_start3A_278 : memref<1x64xf32, #tpu.memory_space<hbm>>) target(%dma_start3A_276 : memref<1x64xf32, #tpu.memory_space<vmem>>) target_semaphore(%arg13 : memref<!tpu.dma_semaphore, #tpu.memory_space<semaphore_mem>>)
      %slice3A_279 = vector.extract_strided_slice %get3A_13 {offsets = [11], sizes = [1], strides = [1]} : vector<16xi32> to vector<1xi32>
      %squeeze3A_280 = vector.extract %slice3A_279[0] : i32 from vector<1xi32>
      %dma_start3A_281 = arith.constant 11 : i32
      %dma_start3A_282 = arith.constant 0 : i32
      %dma_start3A_283 = tpu.memref_slice %arg9[%dma_start3A_281, %dma_start3A_282] : memref<16x64xf32, #tpu.memory_space<vmem>> -> memref<1x64xf32, #tpu.memory_space<vmem>>
      %dma_start3A_284 = arith.constant 0 : i32
      %dma_start3A_285 = tpu.memref_slice %arg4[%squeeze3A_280, %dma_start3A_284] : memref<1000000x64xf32, #tpu.memory_space<hbm>> -> memref<1x64xf32, #tpu.memory_space<hbm>>
      %dma_start3A_286 = arith.constant 11 : i32
      %dma_start3A_287 = arith.constant 0 : i32
      %dma_start3A_288 = tpu.memref_slice %arg9[%dma_start3A_286, %dma_start3A_287] : memref<16x64xf32, #tpu.memory_space<vmem>> -> memref<1x64xf32, #tpu.memory_space<vmem>>
      %dma_start3A_289 = arith.constant 0 : i32
      %dma_start3A_290 = tpu.memref_slice %arg4[%squeeze3A_280, %dma_start3A_289] : memref<1000000x64xf32, #tpu.memory_space<hbm>> -> memref<1x64xf32, #tpu.memory_space<hbm>>
      tpu.enqueue_dma source(%dma_start3A_290 : memref<1x64xf32, #tpu.memory_space<hbm>>) target(%dma_start3A_288 : memref<1x64xf32, #tpu.memory_space<vmem>>) target_semaphore(%arg12 : memref<!tpu.dma_semaphore, #tpu.memory_space<semaphore_mem>>)
      %slice3A_291 = vector.extract_strided_slice %get3A_17 {offsets = [11], sizes = [1], strides = [1]} : vector<16xi32> to vector<1xi32>
      %squeeze3A_292 = vector.extract %slice3A_291[0] : i32 from vector<1xi32>
      %dma_start3A_293 = arith.constant 11 : i32
      %dma_start3A_294 = arith.constant 0 : i32
      %dma_start3A_295 = tpu.memref_slice %arg10[%dma_start3A_293, %dma_start3A_294] : memref<16x64xf32, #tpu.memory_space<vmem>> -> memref<1x64xf32, #tpu.memory_space<vmem>>
      %dma_start3A_296 = arith.constant 0 : i32
      %dma_start3A_297 = tpu.memref_slice %arg5[%squeeze3A_292, %dma_start3A_296] : memref<1000000x64xf32, #tpu.memory_space<hbm>> -> memref<1x64xf32, #tpu.memory_space<hbm>>
      %dma_start3A_298 = arith.constant 11 : i32
      %dma_start3A_299 = arith.constant 0 : i32
      %dma_start3A_300 = tpu.memref_slice %arg10[%dma_start3A_298, %dma_start3A_299] : memref<16x64xf32, #tpu.memory_space<vmem>> -> memref<1x64xf32, #tpu.memory_space<vmem>>
      %dma_start3A_301 = arith.constant 0 : i32
      %dma_start3A_302 = tpu.memref_slice %arg5[%squeeze3A_292, %dma_start3A_301] : memref<1000000x64xf32, #tpu.memory_space<hbm>> -> memref<1x64xf32, #tpu.memory_space<hbm>>
      tpu.enqueue_dma source(%dma_start3A_302 : memref<1x64xf32, #tpu.memory_space<hbm>>) target(%dma_start3A_300 : memref<1x64xf32, #tpu.memory_space<vmem>>) target_semaphore(%arg13 : memref<!tpu.dma_semaphore, #tpu.memory_space<semaphore_mem>>)
      %slice3A_303 = vector.extract_strided_slice %get3A_13 {offsets = [12], sizes = [1], strides = [1]} : vector<16xi32> to vector<1xi32>
      %squeeze3A_304 = vector.extract %slice3A_303[0] : i32 from vector<1xi32>
      %dma_start3A_305 = arith.constant 12 : i32
      %dma_start3A_306 = arith.constant 0 : i32
      %dma_start3A_307 = tpu.memref_slice %arg9[%dma_start3A_305, %dma_start3A_306] : memref<16x64xf32, #tpu.memory_space<vmem>> -> memref<1x64xf32, #tpu.memory_space<vmem>>
      %dma_start3A_308 = arith.constant 0 : i32
      %dma_start3A_309 = tpu.memref_slice %arg4[%squeeze3A_304, %dma_start3A_308] : memref<1000000x64xf32, #tpu.memory_space<hbm>> -> memref<1x64xf32, #tpu.memory_space<hbm>>
      %dma_start3A_310 = arith.constant 12 : i32
      %dma_start3A_311 = arith.constant 0 : i32
      %dma_start3A_312 = tpu.memref_slice %arg9[%dma_start3A_310, %dma_start3A_311] : memref<16x64xf32, #tpu.memory_space<vmem>> -> memref<1x64xf32, #tpu.memory_space<vmem>>
      %dma_start3A_313 = arith.constant 0 : i32
      %dma_start3A_314 = tpu.memref_slice %arg4[%squeeze3A_304, %dma_start3A_313] : memref<1000000x64xf32, #tpu.memory_space<hbm>> -> memref<1x64xf32, #tpu.memory_space<hbm>>
      tpu.enqueue_dma source(%dma_start3A_314 : memref<1x64xf32, #tpu.memory_space<hbm>>) target(%dma_start3A_312 : memref<1x64xf32, #tpu.memory_space<vmem>>) target_semaphore(%arg12 : memref<!tpu.dma_semaphore, #tpu.memory_space<semaphore_mem>>)
      %slice3A_315 = vector.extract_strided_slice %get3A_17 {offsets = [12], sizes = [1], strides = [1]} : vector<16xi32> to vector<1xi32>
      %squeeze3A_316 = vector.extract %slice3A_315[0] : i32 from vector<1xi32>
      %dma_start3A_317 = arith.constant 12 : i32
      %dma_start3A_318 = arith.constant 0 : i32
      %dma_start3A_319 = tpu.memref_slice %arg10[%dma_start3A_317, %dma_start3A_318] : memref<16x64xf32, #tpu.memory_space<vmem>> -> memref<1x64xf32, #tpu.memory_space<vmem>>
      %dma_start3A_320 = arith.constant 0 : i32
      %dma_start3A_321 = tpu.memref_slice %arg5[%squeeze3A_316, %dma_start3A_320] : memref<1000000x64xf32, #tpu.memory_space<hbm>> -> memref<1x64xf32, #tpu.memory_space<hbm>>
      %dma_start3A_322 = arith.constant 12 : i32
      %dma_start3A_323 = arith.constant 0 : i32
      %dma_start3A_324 = tpu.memref_slice %arg10[%dma_start3A_322, %dma_start3A_323] : memref<16x64xf32, #tpu.memory_space<vmem>> -> memref<1x64xf32, #tpu.memory_space<vmem>>
      %dma_start3A_325 = arith.constant 0 : i32
      %dma_start3A_326 = tpu.memref_slice %arg5[%squeeze3A_316, %dma_start3A_325] : memref<1000000x64xf32, #tpu.memory_space<hbm>> -> memref<1x64xf32, #tpu.memory_space<hbm>>
      tpu.enqueue_dma source(%dma_start3A_326 : memref<1x64xf32, #tpu.memory_space<hbm>>) target(%dma_start3A_324 : memref<1x64xf32, #tpu.memory_space<vmem>>) target_semaphore(%arg13 : memref<!tpu.dma_semaphore, #tpu.memory_space<semaphore_mem>>)
      %slice3A_327 = vector.extract_strided_slice %get3A_13 {offsets = [13], sizes = [1], strides = [1]} : vector<16xi32> to vector<1xi32>
      %squeeze3A_328 = vector.extract %slice3A_327[0] : i32 from vector<1xi32>
      %dma_start3A_329 = arith.constant 13 : i32
      %dma_start3A_330 = arith.constant 0 : i32
      %dma_start3A_331 = tpu.memref_slice %arg9[%dma_start3A_329, %dma_start3A_330] : memref<16x64xf32, #tpu.memory_space<vmem>> -> memref<1x64xf32, #tpu.memory_space<vmem>>
      %dma_start3A_332 = arith.constant 0 : i32
      %dma_start3A_333 = tpu.memref_slice %arg4[%squeeze3A_328, %dma_start3A_332] : memref<1000000x64xf32, #tpu.memory_space<hbm>> -> memref<1x64xf32, #tpu.memory_space<hbm>>
      %dma_start3A_334 = arith.constant 13 : i32
      %dma_start3A_335 = arith.constant 0 : i32
      %dma_start3A_336 = tpu.memref_slice %arg9[%dma_start3A_334, %dma_start3A_335] : memref<16x64xf32, #tpu.memory_space<vmem>> -> memref<1x64xf32, #tpu.memory_space<vmem>>
      %dma_start3A_337 = arith.constant 0 : i32
      %dma_start3A_338 = tpu.memref_slice %arg4[%squeeze3A_328, %dma_start3A_337] : memref<1000000x64xf32, #tpu.memory_space<hbm>> -> memref<1x64xf32, #tpu.memory_space<hbm>>
      tpu.enqueue_dma source(%dma_start3A_338 : memref<1x64xf32, #tpu.memory_space<hbm>>) target(%dma_start3A_336 : memref<1x64xf32, #tpu.memory_space<vmem>>) target_semaphore(%arg12 : memref<!tpu.dma_semaphore, #tpu.memory_space<semaphore_mem>>)
      %slice3A_339 = vector.extract_strided_slice %get3A_17 {offsets = [13], sizes = [1], strides = [1]} : vector<16xi32> to vector<1xi32>
      %squeeze3A_340 = vector.extract %slice3A_339[0] : i32 from vector<1xi32>
      %dma_start3A_341 = arith.constant 13 : i32
      %dma_start3A_342 = arith.constant 0 : i32
      %dma_start3A_343 = tpu.memref_slice %arg10[%dma_start3A_341, %dma_start3A_342] : memref<16x64xf32, #tpu.memory_space<vmem>> -> memref<1x64xf32, #tpu.memory_space<vmem>>
      %dma_start3A_344 = arith.constant 0 : i32
      %dma_start3A_345 = tpu.memref_slice %arg5[%squeeze3A_340, %dma_start3A_344] : memref<1000000x64xf32, #tpu.memory_space<hbm>> -> memref<1x64xf32, #tpu.memory_space<hbm>>
      %dma_start3A_346 = arith.constant 13 : i32
      %dma_start3A_347 = arith.constant 0 : i32
      %dma_start3A_348 = tpu.memref_slice %arg10[%dma_start3A_346, %dma_start3A_347] : memref<16x64xf32, #tpu.memory_space<vmem>> -> memref<1x64xf32, #tpu.memory_space<vmem>>
      %dma_start3A_349 = arith.constant 0 : i32
      %dma_start3A_350 = tpu.memref_slice %arg5[%squeeze3A_340, %dma_start3A_349] : memref<1000000x64xf32, #tpu.memory_space<hbm>> -> memref<1x64xf32, #tpu.memory_space<hbm>>
      tpu.enqueue_dma source(%dma_start3A_350 : memref<1x64xf32, #tpu.memory_space<hbm>>) target(%dma_start3A_348 : memref<1x64xf32, #tpu.memory_space<vmem>>) target_semaphore(%arg13 : memref<!tpu.dma_semaphore, #tpu.memory_space<semaphore_mem>>)
      %slice3A_351 = vector.extract_strided_slice %get3A_13 {offsets = [14], sizes = [1], strides = [1]} : vector<16xi32> to vector<1xi32>
      %squeeze3A_352 = vector.extract %slice3A_351[0] : i32 from vector<1xi32>
      %dma_start3A_353 = arith.constant 14 : i32
      %dma_start3A_354 = arith.constant 0 : i32
      %dma_start3A_355 = tpu.memref_slice %arg9[%dma_start3A_353, %dma_start3A_354] : memref<16x64xf32, #tpu.memory_space<vmem>> -> memref<1x64xf32, #tpu.memory_space<vmem>>
      %dma_start3A_356 = arith.constant 0 : i32
      %dma_start3A_357 = tpu.memref_slice %arg4[%squeeze3A_352, %dma_start3A_356] : memref<1000000x64xf32, #tpu.memory_space<hbm>> -> memref<1x64xf32, #tpu.memory_space<hbm>>
      %dma_start3A_358 = arith.constant 14 : i32
      %dma_start3A_359 = arith.constant 0 : i32
      %dma_start3A_360 = tpu.memref_slice %arg9[%dma_start3A_358, %dma_start3A_359] : memref<16x64xf32, #tpu.memory_space<vmem>> -> memref<1x64xf32, #tpu.memory_space<vmem>>
      %dma_start3A_361 = arith.constant 0 : i32
      %dma_start3A_362 = tpu.memref_slice %arg4[%squeeze3A_352, %dma_start3A_361] : memref<1000000x64xf32, #tpu.memory_space<hbm>> -> memref<1x64xf32, #tpu.memory_space<hbm>>
      tpu.enqueue_dma source(%dma_start3A_362 : memref<1x64xf32, #tpu.memory_space<hbm>>) target(%dma_start3A_360 : memref<1x64xf32, #tpu.memory_space<vmem>>) target_semaphore(%arg12 : memref<!tpu.dma_semaphore, #tpu.memory_space<semaphore_mem>>)
      %slice3A_363 = vector.extract_strided_slice %get3A_17 {offsets = [14], sizes = [1], strides = [1]} : vector<16xi32> to vector<1xi32>
      %squeeze3A_364 = vector.extract %slice3A_363[0] : i32 from vector<1xi32>
      %dma_start3A_365 = arith.constant 14 : i32
      %dma_start3A_366 = arith.constant 0 : i32
      %dma_start3A_367 = tpu.memref_slice %arg10[%dma_start3A_365, %dma_start3A_366] : memref<16x64xf32, #tpu.memory_space<vmem>> -> memref<1x64xf32, #tpu.memory_space<vmem>>
      %dma_start3A_368 = arith.constant 0 : i32
      %dma_start3A_369 = tpu.memref_slice %arg5[%squeeze3A_364, %dma_start3A_368] : memref<1000000x64xf32, #tpu.memory_space<hbm>> -> memref<1x64xf32, #tpu.memory_space<hbm>>
      %dma_start3A_370 = arith.constant 14 : i32
      %dma_start3A_371 = arith.constant 0 : i32
      %dma_start3A_372 = tpu.memref_slice %arg10[%dma_start3A_370, %dma_start3A_371] : memref<16x64xf32, #tpu.memory_space<vmem>> -> memref<1x64xf32, #tpu.memory_space<vmem>>
      %dma_start3A_373 = arith.constant 0 : i32
      %dma_start3A_374 = tpu.memref_slice %arg5[%squeeze3A_364, %dma_start3A_373] : memref<1000000x64xf32, #tpu.memory_space<hbm>> -> memref<1x64xf32, #tpu.memory_space<hbm>>
      tpu.enqueue_dma source(%dma_start3A_374 : memref<1x64xf32, #tpu.memory_space<hbm>>) target(%dma_start3A_372 : memref<1x64xf32, #tpu.memory_space<vmem>>) target_semaphore(%arg13 : memref<!tpu.dma_semaphore, #tpu.memory_space<semaphore_mem>>)
      %slice3A_375 = vector.extract_strided_slice %get3A_13 {offsets = [15], sizes = [1], strides = [1]} : vector<16xi32> to vector<1xi32>
      %squeeze3A_376 = vector.extract %slice3A_375[0] : i32 from vector<1xi32>
      %dma_start3A_377 = arith.constant 15 : i32
      %dma_start3A_378 = arith.constant 0 : i32
      %dma_start3A_379 = tpu.memref_slice %arg9[%dma_start3A_377, %dma_start3A_378] : memref<16x64xf32, #tpu.memory_space<vmem>> -> memref<1x64xf32, #tpu.memory_space<vmem>>
      %dma_start3A_380 = arith.constant 0 : i32
      %dma_start3A_381 = tpu.memref_slice %arg4[%squeeze3A_376, %dma_start3A_380] : memref<1000000x64xf32, #tpu.memory_space<hbm>> -> memref<1x64xf32, #tpu.memory_space<hbm>>
      %dma_start3A_382 = arith.constant 15 : i32
      %dma_start3A_383 = arith.constant 0 : i32
      %dma_start3A_384 = tpu.memref_slice %arg9[%dma_start3A_382, %dma_start3A_383] : memref<16x64xf32, #tpu.memory_space<vmem>> -> memref<1x64xf32, #tpu.memory_space<vmem>>
      %dma_start3A_385 = arith.constant 0 : i32
      %dma_start3A_386 = tpu.memref_slice %arg4[%squeeze3A_376, %dma_start3A_385] : memref<1000000x64xf32, #tpu.memory_space<hbm>> -> memref<1x64xf32, #tpu.memory_space<hbm>>
      tpu.enqueue_dma source(%dma_start3A_386 : memref<1x64xf32, #tpu.memory_space<hbm>>) target(%dma_start3A_384 : memref<1x64xf32, #tpu.memory_space<vmem>>) target_semaphore(%arg12 : memref<!tpu.dma_semaphore, #tpu.memory_space<semaphore_mem>>)
      %slice3A_387 = vector.extract_strided_slice %get3A_17 {offsets = [15], sizes = [1], strides = [1]} : vector<16xi32> to vector<1xi32>
      %squeeze3A_388 = vector.extract %slice3A_387[0] : i32 from vector<1xi32>
      %dma_start3A_389 = arith.constant 15 : i32
      %dma_start3A_390 = arith.constant 0 : i32
      %dma_start3A_391 = tpu.memref_slice %arg10[%dma_start3A_389, %dma_start3A_390] : memref<16x64xf32, #tpu.memory_space<vmem>> -> memref<1x64xf32, #tpu.memory_space<vmem>>
      %dma_start3A_392 = arith.constant 0 : i32
      %dma_start3A_393 = tpu.memref_slice %arg5[%squeeze3A_388, %dma_start3A_392] : memref<1000000x64xf32, #tpu.memory_space<hbm>> -> memref<1x64xf32, #tpu.memory_space<hbm>>
      %dma_start3A_394 = arith.constant 15 : i32
      %dma_start3A_395 = arith.constant 0 : i32
      %dma_start3A_396 = tpu.memref_slice %arg10[%dma_start3A_394, %dma_start3A_395] : memref<16x64xf32, #tpu.memory_space<vmem>> -> memref<1x64xf32, #tpu.memory_space<vmem>>
      %dma_start3A_397 = arith.constant 0 : i32
      %dma_start3A_398 = tpu.memref_slice %arg5[%squeeze3A_388, %dma_start3A_397] : memref<1000000x64xf32, #tpu.memory_space<hbm>> -> memref<1x64xf32, #tpu.memory_space<hbm>>
      tpu.enqueue_dma source(%dma_start3A_398 : memref<1x64xf32, #tpu.memory_space<hbm>>) target(%dma_start3A_396 : memref<1x64xf32, #tpu.memory_space<vmem>>) target_semaphore(%arg13 : memref<!tpu.dma_semaphore, #tpu.memory_space<semaphore_mem>>)
      %dma_wait3A = arith.constant 0 : i32
      %dma_wait3A_399 = arith.constant 0 : i32
      %dma_wait3A_400 = tpu.memref_slice %arg9[%dma_wait3A, %dma_wait3A_399] : memref<16x64xf32, #tpu.memory_space<vmem>> -> memref<1x64xf32, #tpu.memory_space<vmem>>
      %dma_wait3A_401 = arith.constant 0 : i32
      %dma_wait3A_402 = tpu.memref_slice %arg4[%squeeze3A, %dma_wait3A_401] : memref<1000000x64xf32, #tpu.memory_space<hbm>> -> memref<1x64xf32, #tpu.memory_space<hbm>>
      %dma_wait3A_403 = arith.constant 0 : i32
      %dma_wait3A_404 = arith.constant 0 : i32
      %dma_wait3A_405 = tpu.memref_slice %arg9[%dma_wait3A_403, %dma_wait3A_404] : memref<16x64xf32, #tpu.memory_space<vmem>> -> memref<1x64xf32, #tpu.memory_space<vmem>>
      %dma_wait3A_406 = arith.constant 0 : i32
      %dma_wait3A_407 = tpu.memref_slice %arg4[%squeeze3A, %dma_wait3A_406] : memref<1000000x64xf32, #tpu.memory_space<hbm>> -> memref<1x64xf32, #tpu.memory_space<hbm>>
      tpu.wait_dma2 semaphore(%arg12 : memref<!tpu.dma_semaphore, #tpu.memory_space<semaphore_mem>>) src(%dma_wait3A_407 : memref<1x64xf32, #tpu.memory_space<hbm>>) dst(%dma_wait3A_405 : memref<1x64xf32, #tpu.memory_space<vmem>>)
      %dma_wait3A_408 = arith.constant 0 : i32
      %dma_wait3A_409 = arith.constant 0 : i32
      %dma_wait3A_410 = tpu.memref_slice %arg10[%dma_wait3A_408, %dma_wait3A_409] : memref<16x64xf32, #tpu.memory_space<vmem>> -> memref<1x64xf32, #tpu.memory_space<vmem>>
      %dma_wait3A_411 = arith.constant 0 : i32
      %dma_wait3A_412 = tpu.memref_slice %arg5[%squeeze3A_28, %dma_wait3A_411] : memref<1000000x64xf32, #tpu.memory_space<hbm>> -> memref<1x64xf32, #tpu.memory_space<hbm>>
      %dma_wait3A_413 = arith.constant 0 : i32
      %dma_wait3A_414 = arith.constant 0 : i32
      %dma_wait3A_415 = tpu.memref_slice %arg10[%dma_wait3A_413, %dma_wait3A_414] : memref<16x64xf32, #tpu.memory_space<vmem>> -> memref<1x64xf32, #tpu.memory_space<vmem>>
      %dma_wait3A_416 = arith.constant 0 : i32
      %dma_wait3A_417 = tpu.memref_slice %arg5[%squeeze3A_28, %dma_wait3A_416] : memref<1000000x64xf32, #tpu.memory_space<hbm>> -> memref<1x64xf32, #tpu.memory_space<hbm>>
      tpu.wait_dma2 semaphore(%arg13 : memref<!tpu.dma_semaphore, #tpu.memory_space<semaphore_mem>>) src(%dma_wait3A_417 : memref<1x64xf32, #tpu.memory_space<hbm>>) dst(%dma_wait3A_415 : memref<1x64xf32, #tpu.memory_space<vmem>>)
      %dma_wait3A_418 = arith.constant 1 : i32
      %dma_wait3A_419 = arith.constant 0 : i32
      %dma_wait3A_420 = tpu.memref_slice %arg9[%dma_wait3A_418, %dma_wait3A_419] : memref<16x64xf32, #tpu.memory_space<vmem>> -> memref<1x64xf32, #tpu.memory_space<vmem>>
      %dma_wait3A_421 = arith.constant 0 : i32
      %dma_wait3A_422 = tpu.memref_slice %arg4[%squeeze3A_40, %dma_wait3A_421] : memref<1000000x64xf32, #tpu.memory_space<hbm>> -> memref<1x64xf32, #tpu.memory_space<hbm>>
      %dma_wait3A_423 = arith.constant 1 : i32
      %dma_wait3A_424 = arith.constant 0 : i32
      %dma_wait3A_425 = tpu.memref_slice %arg9[%dma_wait3A_423, %dma_wait3A_424] : memref<16x64xf32, #tpu.memory_space<vmem>> -> memref<1x64xf32, #tpu.memory_space<vmem>>
      %dma_wait3A_426 = arith.constant 0 : i32
      %dma_wait3A_427 = tpu.memref_slice %arg4[%squeeze3A_40, %dma_wait3A_426] : memref<1000000x64xf32, #tpu.memory_space<hbm>> -> memref<1x64xf32, #tpu.memory_space<hbm>>
      tpu.wait_dma2 semaphore(%arg12 : memref<!tpu.dma_semaphore, #tpu.memory_space<semaphore_mem>>) src(%dma_wait3A_427 : memref<1x64xf32, #tpu.memory_space<hbm>>) dst(%dma_wait3A_425 : memref<1x64xf32, #tpu.memory_space<vmem>>)
      %dma_wait3A_428 = arith.constant 1 : i32
      %dma_wait3A_429 = arith.constant 0 : i32
      %dma_wait3A_430 = tpu.memref_slice %arg10[%dma_wait3A_428, %dma_wait3A_429] : memref<16x64xf32, #tpu.memory_space<vmem>> -> memref<1x64xf32, #tpu.memory_space<vmem>>
      %dma_wait3A_431 = arith.constant 0 : i32
      %dma_wait3A_432 = tpu.memref_slice %arg5[%squeeze3A_52, %dma_wait3A_431] : memref<1000000x64xf32, #tpu.memory_space<hbm>> -> memref<1x64xf32, #tpu.memory_space<hbm>>
      %dma_wait3A_433 = arith.constant 1 : i32
      %dma_wait3A_434 = arith.constant 0 : i32
      %dma_wait3A_435 = tpu.memref_slice %arg10[%dma_wait3A_433, %dma_wait3A_434] : memref<16x64xf32, #tpu.memory_space<vmem>> -> memref<1x64xf32, #tpu.memory_space<vmem>>
      %dma_wait3A_436 = arith.constant 0 : i32
      %dma_wait3A_437 = tpu.memref_slice %arg5[%squeeze3A_52, %dma_wait3A_436] : memref<1000000x64xf32, #tpu.memory_space<hbm>> -> memref<1x64xf32, #tpu.memory_space<hbm>>
      tpu.wait_dma2 semaphore(%arg13 : memref<!tpu.dma_semaphore, #tpu.memory_space<semaphore_mem>>) src(%dma_wait3A_437 : memref<1x64xf32, #tpu.memory_space<hbm>>) dst(%dma_wait3A_435 : memref<1x64xf32, #tpu.memory_space<vmem>>)
      %dma_wait3A_438 = arith.constant 2 : i32
      %dma_wait3A_439 = arith.constant 0 : i32
      %dma_wait3A_440 = tpu.memref_slice %arg9[%dma_wait3A_438, %dma_wait3A_439] : memref<16x64xf32, #tpu.memory_space<vmem>> -> memref<1x64xf32, #tpu.memory_space<vmem>>
      %dma_wait3A_441 = arith.constant 0 : i32
      %dma_wait3A_442 = tpu.memref_slice %arg4[%squeeze3A_64, %dma_wait3A_441] : memref<1000000x64xf32, #tpu.memory_space<hbm>> -> memref<1x64xf32, #tpu.memory_space<hbm>>
      %dma_wait3A_443 = arith.constant 2 : i32
      %dma_wait3A_444 = arith.constant 0 : i32
      %dma_wait3A_445 = tpu.memref_slice %arg9[%dma_wait3A_443, %dma_wait3A_444] : memref<16x64xf32, #tpu.memory_space<vmem>> -> memref<1x64xf32, #tpu.memory_space<vmem>>
      %dma_wait3A_446 = arith.constant 0 : i32
      %dma_wait3A_447 = tpu.memref_slice %arg4[%squeeze3A_64, %dma_wait3A_446] : memref<1000000x64xf32, #tpu.memory_space<hbm>> -> memref<1x64xf32, #tpu.memory_space<hbm>>
      tpu.wait_dma2 semaphore(%arg12 : memref<!tpu.dma_semaphore, #tpu.memory_space<semaphore_mem>>) src(%dma_wait3A_447 : memref<1x64xf32, #tpu.memory_space<hbm>>) dst(%dma_wait3A_445 : memref<1x64xf32, #tpu.memory_space<vmem>>)
      %dma_wait3A_448 = arith.constant 2 : i32
      %dma_wait3A_449 = arith.constant 0 : i32
      %dma_wait3A_450 = tpu.memref_slice %arg10[%dma_wait3A_448, %dma_wait3A_449] : memref<16x64xf32, #tpu.memory_space<vmem>> -> memref<1x64xf32, #tpu.memory_space<vmem>>
      %dma_wait3A_451 = arith.constant 0 : i32
      %dma_wait3A_452 = tpu.memref_slice %arg5[%squeeze3A_76, %dma_wait3A_451] : memref<1000000x64xf32, #tpu.memory_space<hbm>> -> memref<1x64xf32, #tpu.memory_space<hbm>>
      %dma_wait3A_453 = arith.constant 2 : i32
      %dma_wait3A_454 = arith.constant 0 : i32
      %dma_wait3A_455 = tpu.memref_slice %arg10[%dma_wait3A_453, %dma_wait3A_454] : memref<16x64xf32, #tpu.memory_space<vmem>> -> memref<1x64xf32, #tpu.memory_space<vmem>>
      %dma_wait3A_456 = arith.constant 0 : i32
      %dma_wait3A_457 = tpu.memref_slice %arg5[%squeeze3A_76, %dma_wait3A_456] : memref<1000000x64xf32, #tpu.memory_space<hbm>> -> memref<1x64xf32, #tpu.memory_space<hbm>>
      tpu.wait_dma2 semaphore(%arg13 : memref<!tpu.dma_semaphore, #tpu.memory_space<semaphore_mem>>) src(%dma_wait3A_457 : memref<1x64xf32, #tpu.memory_space<hbm>>) dst(%dma_wait3A_455 : memref<1x64xf32, #tpu.memory_space<vmem>>)
      %dma_wait3A_458 = arith.constant 3 : i32
      %dma_wait3A_459 = arith.constant 0 : i32
      %dma_wait3A_460 = tpu.memref_slice %arg9[%dma_wait3A_458, %dma_wait3A_459] : memref<16x64xf32, #tpu.memory_space<vmem>> -> memref<1x64xf32, #tpu.memory_space<vmem>>
      %dma_wait3A_461 = arith.constant 0 : i32
      %dma_wait3A_462 = tpu.memref_slice %arg4[%squeeze3A_88, %dma_wait3A_461] : memref<1000000x64xf32, #tpu.memory_space<hbm>> -> memref<1x64xf32, #tpu.memory_space<hbm>>
      %dma_wait3A_463 = arith.constant 3 : i32
      %dma_wait3A_464 = arith.constant 0 : i32
      %dma_wait3A_465 = tpu.memref_slice %arg9[%dma_wait3A_463, %dma_wait3A_464] : memref<16x64xf32, #tpu.memory_space<vmem>> -> memref<1x64xf32, #tpu.memory_space<vmem>>
      %dma_wait3A_466 = arith.constant 0 : i32
      %dma_wait3A_467 = tpu.memref_slice %arg4[%squeeze3A_88, %dma_wait3A_466] : memref<1000000x64xf32, #tpu.memory_space<hbm>> -> memref<1x64xf32, #tpu.memory_space<hbm>>
      tpu.wait_dma2 semaphore(%arg12 : memref<!tpu.dma_semaphore, #tpu.memory_space<semaphore_mem>>) src(%dma_wait3A_467 : memref<1x64xf32, #tpu.memory_space<hbm>>) dst(%dma_wait3A_465 : memref<1x64xf32, #tpu.memory_space<vmem>>)
      %dma_wait3A_468 = arith.constant 3 : i32
      %dma_wait3A_469 = arith.constant 0 : i32
      %dma_wait3A_470 = tpu.memref_slice %arg10[%dma_wait3A_468, %dma_wait3A_469] : memref<16x64xf32, #tpu.memory_space<vmem>> -> memref<1x64xf32, #tpu.memory_space<vmem>>
      %dma_wait3A_471 = arith.constant 0 : i32
      %dma_wait3A_472 = tpu.memref_slice %arg5[%squeeze3A_100, %dma_wait3A_471] : memref<1000000x64xf32, #tpu.memory_space<hbm>> -> memref<1x64xf32, #tpu.memory_space<hbm>>
      %dma_wait3A_473 = arith.constant 3 : i32
      %dma_wait3A_474 = arith.constant 0 : i32
      %dma_wait3A_475 = tpu.memref_slice %arg10[%dma_wait3A_473, %dma_wait3A_474] : memref<16x64xf32, #tpu.memory_space<vmem>> -> memref<1x64xf32, #tpu.memory_space<vmem>>
      %dma_wait3A_476 = arith.constant 0 : i32
      %dma_wait3A_477 = tpu.memref_slice %arg5[%squeeze3A_100, %dma_wait3A_476] : memref<1000000x64xf32, #tpu.memory_space<hbm>> -> memref<1x64xf32, #tpu.memory_space<hbm>>
      tpu.wait_dma2 semaphore(%arg13 : memref<!tpu.dma_semaphore, #tpu.memory_space<semaphore_mem>>) src(%dma_wait3A_477 : memref<1x64xf32, #tpu.memory_space<hbm>>) dst(%dma_wait3A_475 : memref<1x64xf32, #tpu.memory_space<vmem>>)
      %dma_wait3A_478 = arith.constant 4 : i32
      %dma_wait3A_479 = arith.constant 0 : i32
      %dma_wait3A_480 = tpu.memref_slice %arg9[%dma_wait3A_478, %dma_wait3A_479] : memref<16x64xf32, #tpu.memory_space<vmem>> -> memref<1x64xf32, #tpu.memory_space<vmem>>
      %dma_wait3A_481 = arith.constant 0 : i32
      %dma_wait3A_482 = tpu.memref_slice %arg4[%squeeze3A_112, %dma_wait3A_481] : memref<1000000x64xf32, #tpu.memory_space<hbm>> -> memref<1x64xf32, #tpu.memory_space<hbm>>
      %dma_wait3A_483 = arith.constant 4 : i32
      %dma_wait3A_484 = arith.constant 0 : i32
      %dma_wait3A_485 = tpu.memref_slice %arg9[%dma_wait3A_483, %dma_wait3A_484] : memref<16x64xf32, #tpu.memory_space<vmem>> -> memref<1x64xf32, #tpu.memory_space<vmem>>
      %dma_wait3A_486 = arith.constant 0 : i32
      %dma_wait3A_487 = tpu.memref_slice %arg4[%squeeze3A_112, %dma_wait3A_486] : memref<1000000x64xf32, #tpu.memory_space<hbm>> -> memref<1x64xf32, #tpu.memory_space<hbm>>
      tpu.wait_dma2 semaphore(%arg12 : memref<!tpu.dma_semaphore, #tpu.memory_space<semaphore_mem>>) src(%dma_wait3A_487 : memref<1x64xf32, #tpu.memory_space<hbm>>) dst(%dma_wait3A_485 : memref<1x64xf32, #tpu.memory_space<vmem>>)
      %dma_wait3A_488 = arith.constant 4 : i32
      %dma_wait3A_489 = arith.constant 0 : i32
      %dma_wait3A_490 = tpu.memref_slice %arg10[%dma_wait3A_488, %dma_wait3A_489] : memref<16x64xf32, #tpu.memory_space<vmem>> -> memref<1x64xf32, #tpu.memory_space<vmem>>
      %dma_wait3A_491 = arith.constant 0 : i32
      %dma_wait3A_492 = tpu.memref_slice %arg5[%squeeze3A_124, %dma_wait3A_491] : memref<1000000x64xf32, #tpu.memory_space<hbm>> -> memref<1x64xf32, #tpu.memory_space<hbm>>
      %dma_wait3A_493 = arith.constant 4 : i32
      %dma_wait3A_494 = arith.constant 0 : i32
      %dma_wait3A_495 = tpu.memref_slice %arg10[%dma_wait3A_493, %dma_wait3A_494] : memref<16x64xf32, #tpu.memory_space<vmem>> -> memref<1x64xf32, #tpu.memory_space<vmem>>
      %dma_wait3A_496 = arith.constant 0 : i32
      %dma_wait3A_497 = tpu.memref_slice %arg5[%squeeze3A_124, %dma_wait3A_496] : memref<1000000x64xf32, #tpu.memory_space<hbm>> -> memref<1x64xf32, #tpu.memory_space<hbm>>
      tpu.wait_dma2 semaphore(%arg13 : memref<!tpu.dma_semaphore, #tpu.memory_space<semaphore_mem>>) src(%dma_wait3A_497 : memref<1x64xf32, #tpu.memory_space<hbm>>) dst(%dma_wait3A_495 : memref<1x64xf32, #tpu.memory_space<vmem>>)
      %dma_wait3A_498 = arith.constant 5 : i32
      %dma_wait3A_499 = arith.constant 0 : i32
      %dma_wait3A_500 = tpu.memref_slice %arg9[%dma_wait3A_498, %dma_wait3A_499] : memref<16x64xf32, #tpu.memory_space<vmem>> -> memref<1x64xf32, #tpu.memory_space<vmem>>
      %dma_wait3A_501 = arith.constant 0 : i32
      %dma_wait3A_502 = tpu.memref_slice %arg4[%squeeze3A_136, %dma_wait3A_501] : memref<1000000x64xf32, #tpu.memory_space<hbm>> -> memref<1x64xf32, #tpu.memory_space<hbm>>
      %dma_wait3A_503 = arith.constant 5 : i32
      %dma_wait3A_504 = arith.constant 0 : i32
      %dma_wait3A_505 = tpu.memref_slice %arg9[%dma_wait3A_503, %dma_wait3A_504] : memref<16x64xf32, #tpu.memory_space<vmem>> -> memref<1x64xf32, #tpu.memory_space<vmem>>
      %dma_wait3A_506 = arith.constant 0 : i32
      %dma_wait3A_507 = tpu.memref_slice %arg4[%squeeze3A_136, %dma_wait3A_506] : memref<1000000x64xf32, #tpu.memory_space<hbm>> -> memref<1x64xf32, #tpu.memory_space<hbm>>
      tpu.wait_dma2 semaphore(%arg12 : memref<!tpu.dma_semaphore, #tpu.memory_space<semaphore_mem>>) src(%dma_wait3A_507 : memref<1x64xf32, #tpu.memory_space<hbm>>) dst(%dma_wait3A_505 : memref<1x64xf32, #tpu.memory_space<vmem>>)
      %dma_wait3A_508 = arith.constant 5 : i32
      %dma_wait3A_509 = arith.constant 0 : i32
      %dma_wait3A_510 = tpu.memref_slice %arg10[%dma_wait3A_508, %dma_wait3A_509] : memref<16x64xf32, #tpu.memory_space<vmem>> -> memref<1x64xf32, #tpu.memory_space<vmem>>
      %dma_wait3A_511 = arith.constant 0 : i32
      %dma_wait3A_512 = tpu.memref_slice %arg5[%squeeze3A_148, %dma_wait3A_511] : memref<1000000x64xf32, #tpu.memory_space<hbm>> -> memref<1x64xf32, #tpu.memory_space<hbm>>
      %dma_wait3A_513 = arith.constant 5 : i32
      %dma_wait3A_514 = arith.constant 0 : i32
      %dma_wait3A_515 = tpu.memref_slice %arg10[%dma_wait3A_513, %dma_wait3A_514] : memref<16x64xf32, #tpu.memory_space<vmem>> -> memref<1x64xf32, #tpu.memory_space<vmem>>
      %dma_wait3A_516 = arith.constant 0 : i32
      %dma_wait3A_517 = tpu.memref_slice %arg5[%squeeze3A_148, %dma_wait3A_516] : memref<1000000x64xf32, #tpu.memory_space<hbm>> -> memref<1x64xf32, #tpu.memory_space<hbm>>
      tpu.wait_dma2 semaphore(%arg13 : memref<!tpu.dma_semaphore, #tpu.memory_space<semaphore_mem>>) src(%dma_wait3A_517 : memref<1x64xf32, #tpu.memory_space<hbm>>) dst(%dma_wait3A_515 : memref<1x64xf32, #tpu.memory_space<vmem>>)
      %dma_wait3A_518 = arith.constant 6 : i32
      %dma_wait3A_519 = arith.constant 0 : i32
      %dma_wait3A_520 = tpu.memref_slice %arg9[%dma_wait3A_518, %dma_wait3A_519] : memref<16x64xf32, #tpu.memory_space<vmem>> -> memref<1x64xf32, #tpu.memory_space<vmem>>
      %dma_wait3A_521 = arith.constant 0 : i32
      %dma_wait3A_522 = tpu.memref_slice %arg4[%squeeze3A_160, %dma_wait3A_521] : memref<1000000x64xf32, #tpu.memory_space<hbm>> -> memref<1x64xf32, #tpu.memory_space<hbm>>
      %dma_wait3A_523 = arith.constant 6 : i32
      %dma_wait3A_524 = arith.constant 0 : i32
      %dma_wait3A_525 = tpu.memref_slice %arg9[%dma_wait3A_523, %dma_wait3A_524] : memref<16x64xf32, #tpu.memory_space<vmem>> -> memref<1x64xf32, #tpu.memory_space<vmem>>
      %dma_wait3A_526 = arith.constant 0 : i32
      %dma_wait3A_527 = tpu.memref_slice %arg4[%squeeze3A_160, %dma_wait3A_526] : memref<1000000x64xf32, #tpu.memory_space<hbm>> -> memref<1x64xf32, #tpu.memory_space<hbm>>
      tpu.wait_dma2 semaphore(%arg12 : memref<!tpu.dma_semaphore, #tpu.memory_space<semaphore_mem>>) src(%dma_wait3A_527 : memref<1x64xf32, #tpu.memory_space<hbm>>) dst(%dma_wait3A_525 : memref<1x64xf32, #tpu.memory_space<vmem>>)
      %dma_wait3A_528 = arith.constant 6 : i32
      %dma_wait3A_529 = arith.constant 0 : i32
      %dma_wait3A_530 = tpu.memref_slice %arg10[%dma_wait3A_528, %dma_wait3A_529] : memref<16x64xf32, #tpu.memory_space<vmem>> -> memref<1x64xf32, #tpu.memory_space<vmem>>
      %dma_wait3A_531 = arith.constant 0 : i32
      %dma_wait3A_532 = tpu.memref_slice %arg5[%squeeze3A_172, %dma_wait3A_531] : memref<1000000x64xf32, #tpu.memory_space<hbm>> -> memref<1x64xf32, #tpu.memory_space<hbm>>
      %dma_wait3A_533 = arith.constant 6 : i32
      %dma_wait3A_534 = arith.constant 0 : i32
      %dma_wait3A_535 = tpu.memref_slice %arg10[%dma_wait3A_533, %dma_wait3A_534] : memref<16x64xf32, #tpu.memory_space<vmem>> -> memref<1x64xf32, #tpu.memory_space<vmem>>
      %dma_wait3A_536 = arith.constant 0 : i32
      %dma_wait3A_537 = tpu.memref_slice %arg5[%squeeze3A_172, %dma_wait3A_536] : memref<1000000x64xf32, #tpu.memory_space<hbm>> -> memref<1x64xf32, #tpu.memory_space<hbm>>
      tpu.wait_dma2 semaphore(%arg13 : memref<!tpu.dma_semaphore, #tpu.memory_space<semaphore_mem>>) src(%dma_wait3A_537 : memref<1x64xf32, #tpu.memory_space<hbm>>) dst(%dma_wait3A_535 : memref<1x64xf32, #tpu.memory_space<vmem>>)
      %dma_wait3A_538 = arith.constant 7 : i32
      %dma_wait3A_539 = arith.constant 0 : i32
      %dma_wait3A_540 = tpu.memref_slice %arg9[%dma_wait3A_538, %dma_wait3A_539] : memref<16x64xf32, #tpu.memory_space<vmem>> -> memref<1x64xf32, #tpu.memory_space<vmem>>
      %dma_wait3A_541 = arith.constant 0 : i32
      %dma_wait3A_542 = tpu.memref_slice %arg4[%squeeze3A_184, %dma_wait3A_541] : memref<1000000x64xf32, #tpu.memory_space<hbm>> -> memref<1x64xf32, #tpu.memory_space<hbm>>
      %dma_wait3A_543 = arith.constant 7 : i32
      %dma_wait3A_544 = arith.constant 0 : i32
      %dma_wait3A_545 = tpu.memref_slice %arg9[%dma_wait3A_543, %dma_wait3A_544] : memref<16x64xf32, #tpu.memory_space<vmem>> -> memref<1x64xf32, #tpu.memory_space<vmem>>
      %dma_wait3A_546 = arith.constant 0 : i32
      %dma_wait3A_547 = tpu.memref_slice %arg4[%squeeze3A_184, %dma_wait3A_546] : memref<1000000x64xf32, #tpu.memory_space<hbm>> -> memref<1x64xf32, #tpu.memory_space<hbm>>
      tpu.wait_dma2 semaphore(%arg12 : memref<!tpu.dma_semaphore, #tpu.memory_space<semaphore_mem>>) src(%dma_wait3A_547 : memref<1x64xf32, #tpu.memory_space<hbm>>) dst(%dma_wait3A_545 : memref<1x64xf32, #tpu.memory_space<vmem>>)
      %dma_wait3A_548 = arith.constant 7 : i32
      %dma_wait3A_549 = arith.constant 0 : i32
      %dma_wait3A_550 = tpu.memref_slice %arg10[%dma_wait3A_548, %dma_wait3A_549] : memref<16x64xf32, #tpu.memory_space<vmem>> -> memref<1x64xf32, #tpu.memory_space<vmem>>
      %dma_wait3A_551 = arith.constant 0 : i32
      %dma_wait3A_552 = tpu.memref_slice %arg5[%squeeze3A_196, %dma_wait3A_551] : memref<1000000x64xf32, #tpu.memory_space<hbm>> -> memref<1x64xf32, #tpu.memory_space<hbm>>
      %dma_wait3A_553 = arith.constant 7 : i32
      %dma_wait3A_554 = arith.constant 0 : i32
      %dma_wait3A_555 = tpu.memref_slice %arg10[%dma_wait3A_553, %dma_wait3A_554] : memref<16x64xf32, #tpu.memory_space<vmem>> -> memref<1x64xf32, #tpu.memory_space<vmem>>
      %dma_wait3A_556 = arith.constant 0 : i32
      %dma_wait3A_557 = tpu.memref_slice %arg5[%squeeze3A_196, %dma_wait3A_556] : memref<1000000x64xf32, #tpu.memory_space<hbm>> -> memref<1x64xf32, #tpu.memory_space<hbm>>
      tpu.wait_dma2 semaphore(%arg13 : memref<!tpu.dma_semaphore, #tpu.memory_space<semaphore_mem>>) src(%dma_wait3A_557 : memref<1x64xf32, #tpu.memory_space<hbm>>) dst(%dma_wait3A_555 : memref<1x64xf32, #tpu.memory_space<vmem>>)
      %dma_wait3A_558 = arith.constant 8 : i32
      %dma_wait3A_559 = arith.constant 0 : i32
      %dma_wait3A_560 = tpu.memref_slice %arg9[%dma_wait3A_558, %dma_wait3A_559] : memref<16x64xf32, #tpu.memory_space<vmem>> -> memref<1x64xf32, #tpu.memory_space<vmem>>
      %dma_wait3A_561 = arith.constant 0 : i32
      %dma_wait3A_562 = tpu.memref_slice %arg4[%squeeze3A_208, %dma_wait3A_561] : memref<1000000x64xf32, #tpu.memory_space<hbm>> -> memref<1x64xf32, #tpu.memory_space<hbm>>
      %dma_wait3A_563 = arith.constant 8 : i32
      %dma_wait3A_564 = arith.constant 0 : i32
      %dma_wait3A_565 = tpu.memref_slice %arg9[%dma_wait3A_563, %dma_wait3A_564] : memref<16x64xf32, #tpu.memory_space<vmem>> -> memref<1x64xf32, #tpu.memory_space<vmem>>
      %dma_wait3A_566 = arith.constant 0 : i32
      %dma_wait3A_567 = tpu.memref_slice %arg4[%squeeze3A_208, %dma_wait3A_566] : memref<1000000x64xf32, #tpu.memory_space<hbm>> -> memref<1x64xf32, #tpu.memory_space<hbm>>
      tpu.wait_dma2 semaphore(%arg12 : memref<!tpu.dma_semaphore, #tpu.memory_space<semaphore_mem>>) src(%dma_wait3A_567 : memref<1x64xf32, #tpu.memory_space<hbm>>) dst(%dma_wait3A_565 : memref<1x64xf32, #tpu.memory_space<vmem>>)
      %dma_wait3A_568 = arith.constant 8 : i32
      %dma_wait3A_569 = arith.constant 0 : i32
      %dma_wait3A_570 = tpu.memref_slice %arg10[%dma_wait3A_568, %dma_wait3A_569] : memref<16x64xf32, #tpu.memory_space<vmem>> -> memref<1x64xf32, #tpu.memory_space<vmem>>
      %dma_wait3A_571 = arith.constant 0 : i32
      %dma_wait3A_572 = tpu.memref_slice %arg5[%squeeze3A_220, %dma_wait3A_571] : memref<1000000x64xf32, #tpu.memory_space<hbm>> -> memref<1x64xf32, #tpu.memory_space<hbm>>
      %dma_wait3A_573 = arith.constant 8 : i32
      %dma_wait3A_574 = arith.constant 0 : i32
      %dma_wait3A_575 = tpu.memref_slice %arg10[%dma_wait3A_573, %dma_wait3A_574] : memref<16x64xf32, #tpu.memory_space<vmem>> -> memref<1x64xf32, #tpu.memory_space<vmem>>
      %dma_wait3A_576 = arith.constant 0 : i32
      %dma_wait3A_577 = tpu.memref_slice %arg5[%squeeze3A_220, %dma_wait3A_576] : memref<1000000x64xf32, #tpu.memory_space<hbm>> -> memref<1x64xf32, #tpu.memory_space<hbm>>
      tpu.wait_dma2 semaphore(%arg13 : memref<!tpu.dma_semaphore, #tpu.memory_space<semaphore_mem>>) src(%dma_wait3A_577 : memref<1x64xf32, #tpu.memory_space<hbm>>) dst(%dma_wait3A_575 : memref<1x64xf32, #tpu.memory_space<vmem>>)
      %dma_wait3A_578 = arith.constant 9 : i32
      %dma_wait3A_579 = arith.constant 0 : i32
      %dma_wait3A_580 = tpu.memref_slice %arg9[%dma_wait3A_578, %dma_wait3A_579] : memref<16x64xf32, #tpu.memory_space<vmem>> -> memref<1x64xf32, #tpu.memory_space<vmem>>
      %dma_wait3A_581 = arith.constant 0 : i32
      %dma_wait3A_582 = tpu.memref_slice %arg4[%squeeze3A_232, %dma_wait3A_581] : memref<1000000x64xf32, #tpu.memory_space<hbm>> -> memref<1x64xf32, #tpu.memory_space<hbm>>
      %dma_wait3A_583 = arith.constant 9 : i32
      %dma_wait3A_584 = arith.constant 0 : i32
      %dma_wait3A_585 = tpu.memref_slice %arg9[%dma_wait3A_583, %dma_wait3A_584] : memref<16x64xf32, #tpu.memory_space<vmem>> -> memref<1x64xf32, #tpu.memory_space<vmem>>
      %dma_wait3A_586 = arith.constant 0 : i32
      %dma_wait3A_587 = tpu.memref_slice %arg4[%squeeze3A_232, %dma_wait3A_586] : memref<1000000x64xf32, #tpu.memory_space<hbm>> -> memref<1x64xf32, #tpu.memory_space<hbm>>
      tpu.wait_dma2 semaphore(%arg12 : memref<!tpu.dma_semaphore, #tpu.memory_space<semaphore_mem>>) src(%dma_wait3A_587 : memref<1x64xf32, #tpu.memory_space<hbm>>) dst(%dma_wait3A_585 : memref<1x64xf32, #tpu.memory_space<vmem>>)
      %dma_wait3A_588 = arith.constant 9 : i32
      %dma_wait3A_589 = arith.constant 0 : i32
      %dma_wait3A_590 = tpu.memref_slice %arg10[%dma_wait3A_588, %dma_wait3A_589] : memref<16x64xf32, #tpu.memory_space<vmem>> -> memref<1x64xf32, #tpu.memory_space<vmem>>
      %dma_wait3A_591 = arith.constant 0 : i32
      %dma_wait3A_592 = tpu.memref_slice %arg5[%squeeze3A_244, %dma_wait3A_591] : memref<1000000x64xf32, #tpu.memory_space<hbm>> -> memref<1x64xf32, #tpu.memory_space<hbm>>
      %dma_wait3A_593 = arith.constant 9 : i32
      %dma_wait3A_594 = arith.constant 0 : i32
      %dma_wait3A_595 = tpu.memref_slice %arg10[%dma_wait3A_593, %dma_wait3A_594] : memref<16x64xf32, #tpu.memory_space<vmem>> -> memref<1x64xf32, #tpu.memory_space<vmem>>
      %dma_wait3A_596 = arith.constant 0 : i32
      %dma_wait3A_597 = tpu.memref_slice %arg5[%squeeze3A_244, %dma_wait3A_596] : memref<1000000x64xf32, #tpu.memory_space<hbm>> -> memref<1x64xf32, #tpu.memory_space<hbm>>
      tpu.wait_dma2 semaphore(%arg13 : memref<!tpu.dma_semaphore, #tpu.memory_space<semaphore_mem>>) src(%dma_wait3A_597 : memref<1x64xf32, #tpu.memory_space<hbm>>) dst(%dma_wait3A_595 : memref<1x64xf32, #tpu.memory_space<vmem>>)
      %dma_wait3A_598 = arith.constant 10 : i32
      %dma_wait3A_599 = arith.constant 0 : i32
      %dma_wait3A_600 = tpu.memref_slice %arg9[%dma_wait3A_598, %dma_wait3A_599] : memref<16x64xf32, #tpu.memory_space<vmem>> -> memref<1x64xf32, #tpu.memory_space<vmem>>
      %dma_wait3A_601 = arith.constant 0 : i32
      %dma_wait3A_602 = tpu.memref_slice %arg4[%squeeze3A_256, %dma_wait3A_601] : memref<1000000x64xf32, #tpu.memory_space<hbm>> -> memref<1x64xf32, #tpu.memory_space<hbm>>
      %dma_wait3A_603 = arith.constant 10 : i32
      %dma_wait3A_604 = arith.constant 0 : i32
      %dma_wait3A_605 = tpu.memref_slice %arg9[%dma_wait3A_603, %dma_wait3A_604] : memref<16x64xf32, #tpu.memory_space<vmem>> -> memref<1x64xf32, #tpu.memory_space<vmem>>
      %dma_wait3A_606 = arith.constant 0 : i32
      %dma_wait3A_607 = tpu.memref_slice %arg4[%squeeze3A_256, %dma_wait3A_606] : memref<1000000x64xf32, #tpu.memory_space<hbm>> -> memref<1x64xf32, #tpu.memory_space<hbm>>
      tpu.wait_dma2 semaphore(%arg12 : memref<!tpu.dma_semaphore, #tpu.memory_space<semaphore_mem>>) src(%dma_wait3A_607 : memref<1x64xf32, #tpu.memory_space<hbm>>) dst(%dma_wait3A_605 : memref<1x64xf32, #tpu.memory_space<vmem>>)
      %dma_wait3A_608 = arith.constant 10 : i32
      %dma_wait3A_609 = arith.constant 0 : i32
      %dma_wait3A_610 = tpu.memref_slice %arg10[%dma_wait3A_608, %dma_wait3A_609] : memref<16x64xf32, #tpu.memory_space<vmem>> -> memref<1x64xf32, #tpu.memory_space<vmem>>
      %dma_wait3A_611 = arith.constant 0 : i32
      %dma_wait3A_612 = tpu.memref_slice %arg5[%squeeze3A_268, %dma_wait3A_611] : memref<1000000x64xf32, #tpu.memory_space<hbm>> -> memref<1x64xf32, #tpu.memory_space<hbm>>
      %dma_wait3A_613 = arith.constant 10 : i32
      %dma_wait3A_614 = arith.constant 0 : i32
      %dma_wait3A_615 = tpu.memref_slice %arg10[%dma_wait3A_613, %dma_wait3A_614] : memref<16x64xf32, #tpu.memory_space<vmem>> -> memref<1x64xf32, #tpu.memory_space<vmem>>
      %dma_wait3A_616 = arith.constant 0 : i32
      %dma_wait3A_617 = tpu.memref_slice %arg5[%squeeze3A_268, %dma_wait3A_616] : memref<1000000x64xf32, #tpu.memory_space<hbm>> -> memref<1x64xf32, #tpu.memory_space<hbm>>
      tpu.wait_dma2 semaphore(%arg13 : memref<!tpu.dma_semaphore, #tpu.memory_space<semaphore_mem>>) src(%dma_wait3A_617 : memref<1x64xf32, #tpu.memory_space<hbm>>) dst(%dma_wait3A_615 : memref<1x64xf32, #tpu.memory_space<vmem>>)
      %dma_wait3A_618 = arith.constant 11 : i32
      %dma_wait3A_619 = arith.constant 0 : i32
      %dma_wait3A_620 = tpu.memref_slice %arg9[%dma_wait3A_618, %dma_wait3A_619] : memref<16x64xf32, #tpu.memory_space<vmem>> -> memref<1x64xf32, #tpu.memory_space<vmem>>
      %dma_wait3A_621 = arith.constant 0 : i32
      %dma_wait3A_622 = tpu.memref_slice %arg4[%squeeze3A_280, %dma_wait3A_621] : memref<1000000x64xf32, #tpu.memory_space<hbm>> -> memref<1x64xf32, #tpu.memory_space<hbm>>
      %dma_wait3A_623 = arith.constant 11 : i32
      %dma_wait3A_624 = arith.constant 0 : i32
      %dma_wait3A_625 = tpu.memref_slice %arg9[%dma_wait3A_623, %dma_wait3A_624] : memref<16x64xf32, #tpu.memory_space<vmem>> -> memref<1x64xf32, #tpu.memory_space<vmem>>
      %dma_wait3A_626 = arith.constant 0 : i32
      %dma_wait3A_627 = tpu.memref_slice %arg4[%squeeze3A_280, %dma_wait3A_626] : memref<1000000x64xf32, #tpu.memory_space<hbm>> -> memref<1x64xf32, #tpu.memory_space<hbm>>
      tpu.wait_dma2 semaphore(%arg12 : memref<!tpu.dma_semaphore, #tpu.memory_space<semaphore_mem>>) src(%dma_wait3A_627 : memref<1x64xf32, #tpu.memory_space<hbm>>) dst(%dma_wait3A_625 : memref<1x64xf32, #tpu.memory_space<vmem>>)
      %dma_wait3A_628 = arith.constant 11 : i32
      %dma_wait3A_629 = arith.constant 0 : i32
      %dma_wait3A_630 = tpu.memref_slice %arg10[%dma_wait3A_628, %dma_wait3A_629] : memref<16x64xf32, #tpu.memory_space<vmem>> -> memref<1x64xf32, #tpu.memory_space<vmem>>
      %dma_wait3A_631 = arith.constant 0 : i32
      %dma_wait3A_632 = tpu.memref_slice %arg5[%squeeze3A_292, %dma_wait3A_631] : memref<1000000x64xf32, #tpu.memory_space<hbm>> -> memref<1x64xf32, #tpu.memory_space<hbm>>
      %dma_wait3A_633 = arith.constant 11 : i32
      %dma_wait3A_634 = arith.constant 0 : i32
      %dma_wait3A_635 = tpu.memref_slice %arg10[%dma_wait3A_633, %dma_wait3A_634] : memref<16x64xf32, #tpu.memory_space<vmem>> -> memref<1x64xf32, #tpu.memory_space<vmem>>
      %dma_wait3A_636 = arith.constant 0 : i32
      %dma_wait3A_637 = tpu.memref_slice %arg5[%squeeze3A_292, %dma_wait3A_636] : memref<1000000x64xf32, #tpu.memory_space<hbm>> -> memref<1x64xf32, #tpu.memory_space<hbm>>
      tpu.wait_dma2 semaphore(%arg13 : memref<!tpu.dma_semaphore, #tpu.memory_space<semaphore_mem>>) src(%dma_wait3A_637 : memref<1x64xf32, #tpu.memory_space<hbm>>) dst(%dma_wait3A_635 : memref<1x64xf32, #tpu.memory_space<vmem>>)
      %dma_wait3A_638 = arith.constant 12 : i32
      %dma_wait3A_639 = arith.constant 0 : i32
      %dma_wait3A_640 = tpu.memref_slice %arg9[%dma_wait3A_638, %dma_wait3A_639] : memref<16x64xf32, #tpu.memory_space<vmem>> -> memref<1x64xf32, #tpu.memory_space<vmem>>
      %dma_wait3A_641 = arith.constant 0 : i32
      %dma_wait3A_642 = tpu.memref_slice %arg4[%squeeze3A_304, %dma_wait3A_641] : memref<1000000x64xf32, #tpu.memory_space<hbm>> -> memref<1x64xf32, #tpu.memory_space<hbm>>
      %dma_wait3A_643 = arith.constant 12 : i32
      %dma_wait3A_644 = arith.constant 0 : i32
      %dma_wait3A_645 = tpu.memref_slice %arg9[%dma_wait3A_643, %dma_wait3A_644] : memref<16x64xf32, #tpu.memory_space<vmem>> -> memref<1x64xf32, #tpu.memory_space<vmem>>
      %dma_wait3A_646 = arith.constant 0 : i32
      %dma_wait3A_647 = tpu.memref_slice %arg4[%squeeze3A_304, %dma_wait3A_646] : memref<1000000x64xf32, #tpu.memory_space<hbm>> -> memref<1x64xf32, #tpu.memory_space<hbm>>
      tpu.wait_dma2 semaphore(%arg12 : memref<!tpu.dma_semaphore, #tpu.memory_space<semaphore_mem>>) src(%dma_wait3A_647 : memref<1x64xf32, #tpu.memory_space<hbm>>) dst(%dma_wait3A_645 : memref<1x64xf32, #tpu.memory_space<vmem>>)
      %dma_wait3A_648 = arith.constant 12 : i32
      %dma_wait3A_649 = arith.constant 0 : i32
      %dma_wait3A_650 = tpu.memref_slice %arg10[%dma_wait3A_648, %dma_wait3A_649] : memref<16x64xf32, #tpu.memory_space<vmem>> -> memref<1x64xf32, #tpu.memory_space<vmem>>
      %dma_wait3A_651 = arith.constant 0 : i32
      %dma_wait3A_652 = tpu.memref_slice %arg5[%squeeze3A_316, %dma_wait3A_651] : memref<1000000x64xf32, #tpu.memory_space<hbm>> -> memref<1x64xf32, #tpu.memory_space<hbm>>
      %dma_wait3A_653 = arith.constant 12 : i32
      %dma_wait3A_654 = arith.constant 0 : i32
      %dma_wait3A_655 = tpu.memref_slice %arg10[%dma_wait3A_653, %dma_wait3A_654] : memref<16x64xf32, #tpu.memory_space<vmem>> -> memref<1x64xf32, #tpu.memory_space<vmem>>
      %dma_wait3A_656 = arith.constant 0 : i32
      %dma_wait3A_657 = tpu.memref_slice %arg5[%squeeze3A_316, %dma_wait3A_656] : memref<1000000x64xf32, #tpu.memory_space<hbm>> -> memref<1x64xf32, #tpu.memory_space<hbm>>
      tpu.wait_dma2 semaphore(%arg13 : memref<!tpu.dma_semaphore, #tpu.memory_space<semaphore_mem>>) src(%dma_wait3A_657 : memref<1x64xf32, #tpu.memory_space<hbm>>) dst(%dma_wait3A_655 : memref<1x64xf32, #tpu.memory_space<vmem>>)
      %dma_wait3A_658 = arith.constant 13 : i32
      %dma_wait3A_659 = arith.constant 0 : i32
      %dma_wait3A_660 = tpu.memref_slice %arg9[%dma_wait3A_658, %dma_wait3A_659] : memref<16x64xf32, #tpu.memory_space<vmem>> -> memref<1x64xf32, #tpu.memory_space<vmem>>
      %dma_wait3A_661 = arith.constant 0 : i32
      %dma_wait3A_662 = tpu.memref_slice %arg4[%squeeze3A_328, %dma_wait3A_661] : memref<1000000x64xf32, #tpu.memory_space<hbm>> -> memref<1x64xf32, #tpu.memory_space<hbm>>
      %dma_wait3A_663 = arith.constant 13 : i32
      %dma_wait3A_664 = arith.constant 0 : i32
      %dma_wait3A_665 = tpu.memref_slice %arg9[%dma_wait3A_663, %dma_wait3A_664] : memref<16x64xf32, #tpu.memory_space<vmem>> -> memref<1x64xf32, #tpu.memory_space<vmem>>
      %dma_wait3A_666 = arith.constant 0 : i32
      %dma_wait3A_667 = tpu.memref_slice %arg4[%squeeze3A_328, %dma_wait3A_666] : memref<1000000x64xf32, #tpu.memory_space<hbm>> -> memref<1x64xf32, #tpu.memory_space<hbm>>
      tpu.wait_dma2 semaphore(%arg12 : memref<!tpu.dma_semaphore, #tpu.memory_space<semaphore_mem>>) src(%dma_wait3A_667 : memref<1x64xf32, #tpu.memory_space<hbm>>) dst(%dma_wait3A_665 : memref<1x64xf32, #tpu.memory_space<vmem>>)
      %dma_wait3A_668 = arith.constant 13 : i32
      %dma_wait3A_669 = arith.constant 0 : i32
      %dma_wait3A_670 = tpu.memref_slice %arg10[%dma_wait3A_668, %dma_wait3A_669] : memref<16x64xf32, #tpu.memory_space<vmem>> -> memref<1x64xf32, #tpu.memory_space<vmem>>
      %dma_wait3A_671 = arith.constant 0 : i32
      %dma_wait3A_672 = tpu.memref_slice %arg5[%squeeze3A_340, %dma_wait3A_671] : memref<1000000x64xf32, #tpu.memory_space<hbm>> -> memref<1x64xf32, #tpu.memory_space<hbm>>
      %dma_wait3A_673 = arith.constant 13 : i32
      %dma_wait3A_674 = arith.constant 0 : i32
      %dma_wait3A_675 = tpu.memref_slice %arg10[%dma_wait3A_673, %dma_wait3A_674] : memref<16x64xf32, #tpu.memory_space<vmem>> -> memref<1x64xf32, #tpu.memory_space<vmem>>
      %dma_wait3A_676 = arith.constant 0 : i32
      %dma_wait3A_677 = tpu.memref_slice %arg5[%squeeze3A_340, %dma_wait3A_676] : memref<1000000x64xf32, #tpu.memory_space<hbm>> -> memref<1x64xf32, #tpu.memory_space<hbm>>
      tpu.wait_dma2 semaphore(%arg13 : memref<!tpu.dma_semaphore, #tpu.memory_space<semaphore_mem>>) src(%dma_wait3A_677 : memref<1x64xf32, #tpu.memory_space<hbm>>) dst(%dma_wait3A_675 : memref<1x64xf32, #tpu.memory_space<vmem>>)
      %dma_wait3A_678 = arith.constant 14 : i32
      %dma_wait3A_679 = arith.constant 0 : i32
      %dma_wait3A_680 = tpu.memref_slice %arg9[%dma_wait3A_678, %dma_wait3A_679] : memref<16x64xf32, #tpu.memory_space<vmem>> -> memref<1x64xf32, #tpu.memory_space<vmem>>
      %dma_wait3A_681 = arith.constant 0 : i32
      %dma_wait3A_682 = tpu.memref_slice %arg4[%squeeze3A_352, %dma_wait3A_681] : memref<1000000x64xf32, #tpu.memory_space<hbm>> -> memref<1x64xf32, #tpu.memory_space<hbm>>
      %dma_wait3A_683 = arith.constant 14 : i32
      %dma_wait3A_684 = arith.constant 0 : i32
      %dma_wait3A_685 = tpu.memref_slice %arg9[%dma_wait3A_683, %dma_wait3A_684] : memref<16x64xf32, #tpu.memory_space<vmem>> -> memref<1x64xf32, #tpu.memory_space<vmem>>
      %dma_wait3A_686 = arith.constant 0 : i32
      %dma_wait3A_687 = tpu.memref_slice %arg4[%squeeze3A_352, %dma_wait3A_686] : memref<1000000x64xf32, #tpu.memory_space<hbm>> -> memref<1x64xf32, #tpu.memory_space<hbm>>
      tpu.wait_dma2 semaphore(%arg12 : memref<!tpu.dma_semaphore, #tpu.memory_space<semaphore_mem>>) src(%dma_wait3A_687 : memref<1x64xf32, #tpu.memory_space<hbm>>) dst(%dma_wait3A_685 : memref<1x64xf32, #tpu.memory_space<vmem>>)
      %dma_wait3A_688 = arith.constant 14 : i32
      %dma_wait3A_689 = arith.constant 0 : i32
      %dma_wait3A_690 = tpu.memref_slice %arg10[%dma_wait3A_688, %dma_wait3A_689] : memref<16x64xf32, #tpu.memory_space<vmem>> -> memref<1x64xf32, #tpu.memory_space<vmem>>
      %dma_wait3A_691 = arith.constant 0 : i32
      %dma_wait3A_692 = tpu.memref_slice %arg5[%squeeze3A_364, %dma_wait3A_691] : memref<1000000x64xf32, #tpu.memory_space<hbm>> -> memref<1x64xf32, #tpu.memory_space<hbm>>
      %dma_wait3A_693 = arith.constant 14 : i32
      %dma_wait3A_694 = arith.constant 0 : i32
      %dma_wait3A_695 = tpu.memref_slice %arg10[%dma_wait3A_693, %dma_wait3A_694] : memref<16x64xf32, #tpu.memory_space<vmem>> -> memref<1x64xf32, #tpu.memory_space<vmem>>
      %dma_wait3A_696 = arith.constant 0 : i32
      %dma_wait3A_697 = tpu.memref_slice %arg5[%squeeze3A_364, %dma_wait3A_696] : memref<1000000x64xf32, #tpu.memory_space<hbm>> -> memref<1x64xf32, #tpu.memory_space<hbm>>
      tpu.wait_dma2 semaphore(%arg13 : memref<!tpu.dma_semaphore, #tpu.memory_space<semaphore_mem>>) src(%dma_wait3A_697 : memref<1x64xf32, #tpu.memory_space<hbm>>) dst(%dma_wait3A_695 : memref<1x64xf32, #tpu.memory_space<vmem>>)
      %dma_wait3A_698 = arith.constant 15 : i32
      %dma_wait3A_699 = arith.constant 0 : i32
      %dma_wait3A_700 = tpu.memref_slice %arg9[%dma_wait3A_698, %dma_wait3A_699] : memref<16x64xf32, #tpu.memory_space<vmem>> -> memref<1x64xf32, #tpu.memory_space<vmem>>
      %dma_wait3A_701 = arith.constant 0 : i32
      %dma_wait3A_702 = tpu.memref_slice %arg4[%squeeze3A_376, %dma_wait3A_701] : memref<1000000x64xf32, #tpu.memory_space<hbm>> -> memref<1x64xf32, #tpu.memory_space<hbm>>
      %dma_wait3A_703 = arith.constant 15 : i32
      %dma_wait3A_704 = arith.constant 0 : i32
      %dma_wait3A_705 = tpu.memref_slice %arg9[%dma_wait3A_703, %dma_wait3A_704] : memref<16x64xf32, #tpu.memory_space<vmem>> -> memref<1x64xf32, #tpu.memory_space<vmem>>
      %dma_wait3A_706 = arith.constant 0 : i32
      %dma_wait3A_707 = tpu.memref_slice %arg4[%squeeze3A_376, %dma_wait3A_706] : memref<1000000x64xf32, #tpu.memory_space<hbm>> -> memref<1x64xf32, #tpu.memory_space<hbm>>
      tpu.wait_dma2 semaphore(%arg12 : memref<!tpu.dma_semaphore, #tpu.memory_space<semaphore_mem>>) src(%dma_wait3A_707 : memref<1x64xf32, #tpu.memory_space<hbm>>) dst(%dma_wait3A_705 : memref<1x64xf32, #tpu.memory_space<vmem>>)
      %dma_wait3A_708 = arith.constant 15 : i32
      %dma_wait3A_709 = arith.constant 0 : i32
      %dma_wait3A_710 = tpu.memref_slice %arg10[%dma_wait3A_708, %dma_wait3A_709] : memref<16x64xf32, #tpu.memory_space<vmem>> -> memref<1x64xf32, #tpu.memory_space<vmem>>
      %dma_wait3A_711 = arith.constant 0 : i32
      %dma_wait3A_712 = tpu.memref_slice %arg5[%squeeze3A_388, %dma_wait3A_711] : memref<1000000x64xf32, #tpu.memory_space<hbm>> -> memref<1x64xf32, #tpu.memory_space<hbm>>
      %dma_wait3A_713 = arith.constant 15 : i32
      %dma_wait3A_714 = arith.constant 0 : i32
      %dma_wait3A_715 = tpu.memref_slice %arg10[%dma_wait3A_713, %dma_wait3A_714] : memref<16x64xf32, #tpu.memory_space<vmem>> -> memref<1x64xf32, #tpu.memory_space<vmem>>
      %dma_wait3A_716 = arith.constant 0 : i32
      %dma_wait3A_717 = tpu.memref_slice %arg5[%squeeze3A_388, %dma_wait3A_716] : memref<1000000x64xf32, #tpu.memory_space<hbm>> -> memref<1x64xf32, #tpu.memory_space<hbm>>
      tpu.wait_dma2 semaphore(%arg13 : memref<!tpu.dma_semaphore, #tpu.memory_space<semaphore_mem>>) src(%dma_wait3A_717 : memref<1x64xf32, #tpu.memory_space<hbm>>) dst(%dma_wait3A_715 : memref<1x64xf32, #tpu.memory_space<vmem>>)
      %broadcast_in_dim3A = arith.constant 0.000000e+00 : f32
      %broadcast_in_dim3A_718 = vector.broadcast %broadcast_in_dim3A : f32 to vector<16xf32>
      %get3A_719 = arith.constant 0 : i32
      %get3A_720 = arith.index_cast %get3A_719 : i32 to index
      %get3A_721 = arith.constant 0 : index
      %get3A_722 = tpu.vector_load %arg9[%get3A_720, %get3A_721] {strides = array<i32>} : memref<16x64xf32, #tpu.memory_space<vmem>>, vector<16xf32>,
      %get3A_723 = arith.constant 0 : i32
      %get3A_724 = arith.index_cast %get3A_723 : i32 to index
      %get3A_725 = arith.constant 0 : index
      %get3A_726 = tpu.vector_load %arg10[%get3A_724, %get3A_725] {strides = array<i32>} : memref<16x64xf32, #tpu.memory_space<vmem>>, vector<16xf32>,
      %mul3A_727 = arith.mulf %get3A_722, %get3A_726 : vector<16xf32>
      %get3A_728 = arith.constant 0 : i32
      %get3A_729 = arith.index_cast %get3A_728 : i32 to index
      %get3A_730 = arith.constant 16 : index
      %get3A_731 = tpu.vector_load %arg9[%get3A_729, %get3A_730] {strides = array<i32>} : memref<16x64xf32, #tpu.memory_space<vmem>>, vector<16xf32>,
      %get3A_732 = arith.constant 0 : i32
      %get3A_733 = arith.index_cast %get3A_732 : i32 to index
      %get3A_734 = arith.constant 16 : index
      %get3A_735 = tpu.vector_load %arg10[%get3A_733, %get3A_734] {strides = array<i32>} : memref<16x64xf32, #tpu.memory_space<vmem>>, vector<16xf32>,
      %mul3A_736 = arith.mulf %get3A_731, %get3A_735 : vector<16xf32>
      %add3A_737 = arith.addf %mul3A_727, %mul3A_736 : vector<16xf32>
      %get3A_738 = arith.constant 0 : i32
      %get3A_739 = arith.index_cast %get3A_738 : i32 to index
      %get3A_740 = arith.constant 32 : index
      %get3A_741 = tpu.vector_load %arg9[%get3A_739, %get3A_740] {strides = array<i32>} : memref<16x64xf32, #tpu.memory_space<vmem>>, vector<16xf32>,
      %get3A_742 = arith.constant 0 : i32
      %get3A_743 = arith.index_cast %get3A_742 : i32 to index
      %get3A_744 = arith.constant 32 : index
      %get3A_745 = tpu.vector_load %arg10[%get3A_743, %get3A_744] {strides = array<i32>} : memref<16x64xf32, #tpu.memory_space<vmem>>, vector<16xf32>,
      %mul3A_746 = arith.mulf %get3A_741, %get3A_745 : vector<16xf32>
      %add3A_747 = arith.addf %add3A_737, %mul3A_746 : vector<16xf32>
      %get3A_748 = arith.constant 0 : i32
      %get3A_749 = arith.index_cast %get3A_748 : i32 to index
      %get3A_750 = arith.constant 48 : index
      %get3A_751 = tpu.vector_load %arg9[%get3A_749, %get3A_750] {strides = array<i32>} : memref<16x64xf32, #tpu.memory_space<vmem>>, vector<16xf32>,
      %get3A_752 = arith.constant 0 : i32
      %get3A_753 = arith.index_cast %get3A_752 : i32 to index
      %get3A_754 = arith.constant 48 : index
      %get3A_755 = tpu.vector_load %arg10[%get3A_753, %get3A_754] {strides = array<i32>} : memref<16x64xf32, #tpu.memory_space<vmem>>, vector<16xf32>,
      %mul3A_756 = arith.mulf %get3A_751, %get3A_755 : vector<16xf32>
      %add3A_757 = arith.addf %add3A_747, %mul3A_756 : vector<16xf32>
      %eq3A = arith.constant 0 : i32
      %eq3A_758 = vector.broadcast %eq3A : i32 to vector<16xi32>
      %eq3A_759 = arith.cmpi eq, %iota3A, %eq3A_758 : vector<16xi32>
      %reduce_sum3A = arith.constant true
      %reduce_sum3A_760 = vector.broadcast %reduce_sum3A : i1 to vector<16xi1>
      %reduce_sum3A_761 = tpu.scan <sum>, %add3A_757 masked %reduce_sum3A_760 : vector<16xf32>, vector<16xi1> -> vector<16xf32>
      %reduce_sum3A_762 = vector.extract %reduce_sum3A_761[15] : f32 from vector<16xf32>
      %broadcast_in_dim3A_763 = vector.broadcast %reduce_sum3A_762 : f32 to vector<16xf32>
      %select_n3A = arith.select %eq3A_759, %broadcast_in_dim3A_763, %broadcast_in_dim3A_718 : vector<16xi1>, vector<16xf32>
      %get3A_764 = arith.constant 1 : i32
      %get3A_765 = arith.index_cast %get3A_764 : i32 to index
      %get3A_766 = arith.constant 0 : index
      %get3A_767 = tpu.vector_load %arg9[%get3A_765, %get3A_766] {strides = array<i32>} : memref<16x64xf32, #tpu.memory_space<vmem>>, vector<16xf32>,
      %get3A_768 = arith.constant 1 : i32
      %get3A_769 = arith.index_cast %get3A_768 : i32 to index
      %get3A_770 = arith.constant 0 : index
      %get3A_771 = tpu.vector_load %arg10[%get3A_769, %get3A_770] {strides = array<i32>} : memref<16x64xf32, #tpu.memory_space<vmem>>, vector<16xf32>,
      %mul3A_772 = arith.mulf %get3A_767, %get3A_771 : vector<16xf32>
      %get3A_773 = arith.constant 1 : i32
      %get3A_774 = arith.index_cast %get3A_773 : i32 to index
      %get3A_775 = arith.constant 16 : index
      %get3A_776 = tpu.vector_load %arg9[%get3A_774, %get3A_775] {strides = array<i32>} : memref<16x64xf32, #tpu.memory_space<vmem>>, vector<16xf32>,
      %get3A_777 = arith.constant 1 : i32
      %get3A_778 = arith.index_cast %get3A_777 : i32 to index
      %get3A_779 = arith.constant 16 : index
      %get3A_780 = tpu.vector_load %arg10[%get3A_778, %get3A_779] {strides = array<i32>} : memref<16x64xf32, #tpu.memory_space<vmem>>, vector<16xf32>,
      %mul3A_781 = arith.mulf %get3A_776, %get3A_780 : vector<16xf32>
      %add3A_782 = arith.addf %mul3A_772, %mul3A_781 : vector<16xf32>
      %get3A_783 = arith.constant 1 : i32
      %get3A_784 = arith.index_cast %get3A_783 : i32 to index
      %get3A_785 = arith.constant 32 : index
      %get3A_786 = tpu.vector_load %arg9[%get3A_784, %get3A_785] {strides = array<i32>} : memref<16x64xf32, #tpu.memory_space<vmem>>, vector<16xf32>,
      %get3A_787 = arith.constant 1 : i32
      %get3A_788 = arith.index_cast %get3A_787 : i32 to index
      %get3A_789 = arith.constant 32 : index
      %get3A_790 = tpu.vector_load %arg10[%get3A_788, %get3A_789] {strides = array<i32>} : memref<16x64xf32, #tpu.memory_space<vmem>>, vector<16xf32>,
      %mul3A_791 = arith.mulf %get3A_786, %get3A_790 : vector<16xf32>
      %add3A_792 = arith.addf %add3A_782, %mul3A_791 : vector<16xf32>
      %get3A_793 = arith.constant 1 : i32
      %get3A_794 = arith.index_cast %get3A_793 : i32 to index
      %get3A_795 = arith.constant 48 : index
      %get3A_796 = tpu.vector_load %arg9[%get3A_794, %get3A_795] {strides = array<i32>} : memref<16x64xf32, #tpu.memory_space<vmem>>, vector<16xf32>,
      %get3A_797 = arith.constant 1 : i32
      %get3A_798 = arith.index_cast %get3A_797 : i32 to index
      %get3A_799 = arith.constant 48 : index
      %get3A_800 = tpu.vector_load %arg10[%get3A_798, %get3A_799] {strides = array<i32>} : memref<16x64xf32, #tpu.memory_space<vmem>>, vector<16xf32>,
      %mul3A_801 = arith.mulf %get3A_796, %get3A_800 : vector<16xf32>
      %add3A_802 = arith.addf %add3A_792, %mul3A_801 : vector<16xf32>
      %eq3A_803 = arith.constant 1 : i32
      %eq3A_804 = vector.broadcast %eq3A_803 : i32 to vector<16xi32>
      %eq3A_805 = arith.cmpi eq, %iota3A, %eq3A_804 : vector<16xi32>
      %reduce_sum3A_806 = arith.constant true
      %reduce_sum3A_807 = vector.broadcast %reduce_sum3A_806 : i1 to vector<16xi1>
      %reduce_sum3A_808 = tpu.scan <sum>, %add3A_802 masked %reduce_sum3A_807 : vector<16xf32>, vector<16xi1> -> vector<16xf32>
      %reduce_sum3A_809 = vector.extract %reduce_sum3A_808[15] : f32 from vector<16xf32>
      %broadcast_in_dim3A_810 = vector.broadcast %reduce_sum3A_809 : f32 to vector<16xf32>
      %select_n3A_811 = arith.select %eq3A_805, %broadcast_in_dim3A_810, %select_n3A : vector<16xi1>, vector<16xf32>
      %get3A_812 = arith.constant 2 : i32
      %get3A_813 = arith.index_cast %get3A_812 : i32 to index
      %get3A_814 = arith.constant 0 : index
      %get3A_815 = tpu.vector_load %arg9[%get3A_813, %get3A_814] {strides = array<i32>} : memref<16x64xf32, #tpu.memory_space<vmem>>, vector<16xf32>,
      %get3A_816 = arith.constant 2 : i32
      %get3A_817 = arith.index_cast %get3A_816 : i32 to index
      %get3A_818 = arith.constant 0 : index
      %get3A_819 = tpu.vector_load %arg10[%get3A_817, %get3A_818] {strides = array<i32>} : memref<16x64xf32, #tpu.memory_space<vmem>>, vector<16xf32>,
      %mul3A_820 = arith.mulf %get3A_815, %get3A_819 : vector<16xf32>
      %get3A_821 = arith.constant 2 : i32
      %get3A_822 = arith.index_cast %get3A_821 : i32 to index
      %get3A_823 = arith.constant 16 : index
      %get3A_824 = tpu.vector_load %arg9[%get3A_822, %get3A_823] {strides = array<i32>} : memref<16x64xf32, #tpu.memory_space<vmem>>, vector<16xf32>,
      %get3A_825 = arith.constant 2 : i32
      %get3A_826 = arith.index_cast %get3A_825 : i32 to index
      %get3A_827 = arith.constant 16 : index
      %get3A_828 = tpu.vector_load %arg10[%get3A_826, %get3A_827] {strides = array<i32>} : memref<16x64xf32, #tpu.memory_space<vmem>>, vector<16xf32>,
      %mul3A_829 = arith.mulf %get3A_824, %get3A_828 : vector<16xf32>
      %add3A_830 = arith.addf %mul3A_820, %mul3A_829 : vector<16xf32>
      %get3A_831 = arith.constant 2 : i32
      %get3A_832 = arith.index_cast %get3A_831 : i32 to index
      %get3A_833 = arith.constant 32 : index
      %get3A_834 = tpu.vector_load %arg9[%get3A_832, %get3A_833] {strides = array<i32>} : memref<16x64xf32, #tpu.memory_space<vmem>>, vector<16xf32>,
      %get3A_835 = arith.constant 2 : i32
      %get3A_836 = arith.index_cast %get3A_835 : i32 to index
      %get3A_837 = arith.constant 32 : index
      %get3A_838 = tpu.vector_load %arg10[%get3A_836, %get3A_837] {strides = array<i32>} : memref<16x64xf32, #tpu.memory_space<vmem>>, vector<16xf32>,
      %mul3A_839 = arith.mulf %get3A_834, %get3A_838 : vector<16xf32>
      %add3A_840 = arith.addf %add3A_830, %mul3A_839 : vector<16xf32>
      %get3A_841 = arith.constant 2 : i32
      %get3A_842 = arith.index_cast %get3A_841 : i32 to index
      %get3A_843 = arith.constant 48 : index
      %get3A_844 = tpu.vector_load %arg9[%get3A_842, %get3A_843] {strides = array<i32>} : memref<16x64xf32, #tpu.memory_space<vmem>>, vector<16xf32>,
      %get3A_845 = arith.constant 2 : i32
      %get3A_846 = arith.index_cast %get3A_845 : i32 to index
      %get3A_847 = arith.constant 48 : index
      %get3A_848 = tpu.vector_load %arg10[%get3A_846, %get3A_847] {strides = array<i32>} : memref<16x64xf32, #tpu.memory_space<vmem>>, vector<16xf32>,
      %mul3A_849 = arith.mulf %get3A_844, %get3A_848 : vector<16xf32>
      %add3A_850 = arith.addf %add3A_840, %mul3A_849 : vector<16xf32>
      %eq3A_851 = arith.constant 2 : i32
      %eq3A_852 = vector.broadcast %eq3A_851 : i32 to vector<16xi32>
      %eq3A_853 = arith.cmpi eq, %iota3A, %eq3A_852 : vector<16xi32>
      %reduce_sum3A_854 = arith.constant true
      %reduce_sum3A_855 = vector.broadcast %reduce_sum3A_854 : i1 to vector<16xi1>
      %reduce_sum3A_856 = tpu.scan <sum>, %add3A_850 masked %reduce_sum3A_855 : vector<16xf32>, vector<16xi1> -> vector<16xf32>
      %reduce_sum3A_857 = vector.extract %reduce_sum3A_856[15] : f32 from vector<16xf32>
      %broadcast_in_dim3A_858 = vector.broadcast %reduce_sum3A_857 : f32 to vector<16xf32>
      %select_n3A_859 = arith.select %eq3A_853, %broadcast_in_dim3A_858, %select_n3A_811 : vector<16xi1>, vector<16xf32>
      %get3A_860 = arith.constant 3 : i32
      %get3A_861 = arith.index_cast %get3A_860 : i32 to index
      %get3A_862 = arith.constant 0 : index
      %get3A_863 = tpu.vector_load %arg9[%get3A_861, %get3A_862] {strides = array<i32>} : memref<16x64xf32, #tpu.memory_space<vmem>>, vector<16xf32>,
      %get3A_864 = arith.constant 3 : i32
      %get3A_865 = arith.index_cast %get3A_864 : i32 to index
      %get3A_866 = arith.constant 0 : index
      %get3A_867 = tpu.vector_load %arg10[%get3A_865, %get3A_866] {strides = array<i32>} : memref<16x64xf32, #tpu.memory_space<vmem>>, vector<16xf32>,
      %mul3A_868 = arith.mulf %get3A_863, %get3A_867 : vector<16xf32>
      %get3A_869 = arith.constant 3 : i32
      %get3A_870 = arith.index_cast %get3A_869 : i32 to index
      %get3A_871 = arith.constant 16 : index
      %get3A_872 = tpu.vector_load %arg9[%get3A_870, %get3A_871] {strides = array<i32>} : memref<16x64xf32, #tpu.memory_space<vmem>>, vector<16xf32>,
      %get3A_873 = arith.constant 3 : i32
      %get3A_874 = arith.index_cast %get3A_873 : i32 to index
      %get3A_875 = arith.constant 16 : index
      %get3A_876 = tpu.vector_load %arg10[%get3A_874, %get3A_875] {strides = array<i32>} : memref<16x64xf32, #tpu.memory_space<vmem>>, vector<16xf32>,
      %mul3A_877 = arith.mulf %get3A_872, %get3A_876 : vector<16xf32>
      %add3A_878 = arith.addf %mul3A_868, %mul3A_877 : vector<16xf32>
      %get3A_879 = arith.constant 3 : i32
      %get3A_880 = arith.index_cast %get3A_879 : i32 to index
      %get3A_881 = arith.constant 32 : index
      %get3A_882 = tpu.vector_load %arg9[%get3A_880, %get3A_881] {strides = array<i32>} : memref<16x64xf32, #tpu.memory_space<vmem>>, vector<16xf32>,
      %get3A_883 = arith.constant 3 : i32
      %get3A_884 = arith.index_cast %get3A_883 : i32 to index
      %get3A_885 = arith.constant 32 : index
      %get3A_886 = tpu.vector_load %arg10[%get3A_884, %get3A_885] {strides = array<i32>} : memref<16x64xf32, #tpu.memory_space<vmem>>, vector<16xf32>,
      %mul3A_887 = arith.mulf %get3A_882, %get3A_886 : vector<16xf32>
      %add3A_888 = arith.addf %add3A_878, %mul3A_887 : vector<16xf32>
      %get3A_889 = arith.constant 3 : i32
      %get3A_890 = arith.index_cast %get3A_889 : i32 to index
      %get3A_891 = arith.constant 48 : index
      %get3A_892 = tpu.vector_load %arg9[%get3A_890, %get3A_891] {strides = array<i32>} : memref<16x64xf32, #tpu.memory_space<vmem>>, vector<16xf32>,
      %get3A_893 = arith.constant 3 : i32
      %get3A_894 = arith.index_cast %get3A_893 : i32 to index
      %get3A_895 = arith.constant 48 : index
      %get3A_896 = tpu.vector_load %arg10[%get3A_894, %get3A_895] {strides = array<i32>} : memref<16x64xf32, #tpu.memory_space<vmem>>, vector<16xf32>,
      %mul3A_897 = arith.mulf %get3A_892, %get3A_896 : vector<16xf32>
      %add3A_898 = arith.addf %add3A_888, %mul3A_897 : vector<16xf32>
      %eq3A_899 = arith.constant 3 : i32
      %eq3A_900 = vector.broadcast %eq3A_899 : i32 to vector<16xi32>
      %eq3A_901 = arith.cmpi eq, %iota3A, %eq3A_900 : vector<16xi32>
      %reduce_sum3A_902 = arith.constant true
      %reduce_sum3A_903 = vector.broadcast %reduce_sum3A_902 : i1 to vector<16xi1>
      %reduce_sum3A_904 = tpu.scan <sum>, %add3A_898 masked %reduce_sum3A_903 : vector<16xf32>, vector<16xi1> -> vector<16xf32>
      %reduce_sum3A_905 = vector.extract %reduce_sum3A_904[15] : f32 from vector<16xf32>
      %broadcast_in_dim3A_906 = vector.broadcast %reduce_sum3A_905 : f32 to vector<16xf32>
      %select_n3A_907 = arith.select %eq3A_901, %broadcast_in_dim3A_906, %select_n3A_859 : vector<16xi1>, vector<16xf32>
      %get3A_908 = arith.constant 4 : i32
      %get3A_909 = arith.index_cast %get3A_908 : i32 to index
      %get3A_910 = arith.constant 0 : index
      %get3A_911 = tpu.vector_load %arg9[%get3A_909, %get3A_910] {strides = array<i32>} : memref<16x64xf32, #tpu.memory_space<vmem>>, vector<16xf32>,
      %get3A_912 = arith.constant 4 : i32
      %get3A_913 = arith.index_cast %get3A_912 : i32 to index
      %get3A_914 = arith.constant 0 : index
      %get3A_915 = tpu.vector_load %arg10[%get3A_913, %get3A_914] {strides = array<i32>} : memref<16x64xf32, #tpu.memory_space<vmem>>, vector<16xf32>,
      %mul3A_916 = arith.mulf %get3A_911, %get3A_915 : vector<16xf32>
      %get3A_917 = arith.constant 4 : i32
      %get3A_918 = arith.index_cast %get3A_917 : i32 to index
      %get3A_919 = arith.constant 16 : index
      %get3A_920 = tpu.vector_load %arg9[%get3A_918, %get3A_919] {strides = array<i32>} : memref<16x64xf32, #tpu.memory_space<vmem>>, vector<16xf32>,
      %get3A_921 = arith.constant 4 : i32
      %get3A_922 = arith.index_cast %get3A_921 : i32 to index
      %get3A_923 = arith.constant 16 : index
      %get3A_924 = tpu.vector_load %arg10[%get3A_922, %get3A_923] {strides = array<i32>} : memref<16x64xf32, #tpu.memory_space<vmem>>, vector<16xf32>,
      %mul3A_925 = arith.mulf %get3A_920, %get3A_924 : vector<16xf32>
      %add3A_926 = arith.addf %mul3A_916, %mul3A_925 : vector<16xf32>
      %get3A_927 = arith.constant 4 : i32
      %get3A_928 = arith.index_cast %get3A_927 : i32 to index
      %get3A_929 = arith.constant 32 : index
      %get3A_930 = tpu.vector_load %arg9[%get3A_928, %get3A_929] {strides = array<i32>} : memref<16x64xf32, #tpu.memory_space<vmem>>, vector<16xf32>,
      %get3A_931 = arith.constant 4 : i32
      %get3A_932 = arith.index_cast %get3A_931 : i32 to index
      %get3A_933 = arith.constant 32 : index
      %get3A_934 = tpu.vector_load %arg10[%get3A_932, %get3A_933] {strides = array<i32>} : memref<16x64xf32, #tpu.memory_space<vmem>>, vector<16xf32>,
      %mul3A_935 = arith.mulf %get3A_930, %get3A_934 : vector<16xf32>
      %add3A_936 = arith.addf %add3A_926, %mul3A_935 : vector<16xf32>
      %get3A_937 = arith.constant 4 : i32
      %get3A_938 = arith.index_cast %get3A_937 : i32 to index
      %get3A_939 = arith.constant 48 : index
      %get3A_940 = tpu.vector_load %arg9[%get3A_938, %get3A_939] {strides = array<i32>} : memref<16x64xf32, #tpu.memory_space<vmem>>, vector<16xf32>,
      %get3A_941 = arith.constant 4 : i32
      %get3A_942 = arith.index_cast %get3A_941 : i32 to index
      %get3A_943 = arith.constant 48 : index
      %get3A_944 = tpu.vector_load %arg10[%get3A_942, %get3A_943] {strides = array<i32>} : memref<16x64xf32, #tpu.memory_space<vmem>>, vector<16xf32>,
      %mul3A_945 = arith.mulf %get3A_940, %get3A_944 : vector<16xf32>
      %add3A_946 = arith.addf %add3A_936, %mul3A_945 : vector<16xf32>
      %eq3A_947 = arith.constant 4 : i32
      %eq3A_948 = vector.broadcast %eq3A_947 : i32 to vector<16xi32>
      %eq3A_949 = arith.cmpi eq, %iota3A, %eq3A_948 : vector<16xi32>
      %reduce_sum3A_950 = arith.constant true
      %reduce_sum3A_951 = vector.broadcast %reduce_sum3A_950 : i1 to vector<16xi1>
      %reduce_sum3A_952 = tpu.scan <sum>, %add3A_946 masked %reduce_sum3A_951 : vector<16xf32>, vector<16xi1> -> vector<16xf32>
      %reduce_sum3A_953 = vector.extract %reduce_sum3A_952[15] : f32 from vector<16xf32>
      %broadcast_in_dim3A_954 = vector.broadcast %reduce_sum3A_953 : f32 to vector<16xf32>
      %select_n3A_955 = arith.select %eq3A_949, %broadcast_in_dim3A_954, %select_n3A_907 : vector<16xi1>, vector<16xf32>
      %get3A_956 = arith.constant 5 : i32
      %get3A_957 = arith.index_cast %get3A_956 : i32 to index
      %get3A_958 = arith.constant 0 : index
      %get3A_959 = tpu.vector_load %arg9[%get3A_957, %get3A_958] {strides = array<i32>} : memref<16x64xf32, #tpu.memory_space<vmem>>, vector<16xf32>,
      %get3A_960 = arith.constant 5 : i32
      %get3A_961 = arith.index_cast %get3A_960 : i32 to index
      %get3A_962 = arith.constant 0 : index
      %get3A_963 = tpu.vector_load %arg10[%get3A_961, %get3A_962] {strides = array<i32>} : memref<16x64xf32, #tpu.memory_space<vmem>>, vector<16xf32>,
      %mul3A_964 = arith.mulf %get3A_959, %get3A_963 : vector<16xf32>
      %get3A_965 = arith.constant 5 : i32
      %get3A_966 = arith.index_cast %get3A_965 : i32 to index
      %get3A_967 = arith.constant 16 : index
      %get3A_968 = tpu.vector_load %arg9[%get3A_966, %get3A_967] {strides = array<i32>} : memref<16x64xf32, #tpu.memory_space<vmem>>, vector<16xf32>,
      %get3A_969 = arith.constant 5 : i32
      %get3A_970 = arith.index_cast %get3A_969 : i32 to index
      %get3A_971 = arith.constant 16 : index
      %get3A_972 = tpu.vector_load %arg10[%get3A_970, %get3A_971] {strides = array<i32>} : memref<16x64xf32, #tpu.memory_space<vmem>>, vector<16xf32>,
      %mul3A_973 = arith.mulf %get3A_968, %get3A_972 : vector<16xf32>
      %add3A_974 = arith.addf %mul3A_964, %mul3A_973 : vector<16xf32>
      %get3A_975 = arith.constant 5 : i32
      %get3A_976 = arith.index_cast %get3A_975 : i32 to index
      %get3A_977 = arith.constant 32 : index
      %get3A_978 = tpu.vector_load %arg9[%get3A_976, %get3A_977] {strides = array<i32>} : memref<16x64xf32, #tpu.memory_space<vmem>>, vector<16xf32>,
      %get3A_979 = arith.constant 5 : i32
      %get3A_980 = arith.index_cast %get3A_979 : i32 to index
      %get3A_981 = arith.constant 32 : index
      %get3A_982 = tpu.vector_load %arg10[%get3A_980, %get3A_981] {strides = array<i32>} : memref<16x64xf32, #tpu.memory_space<vmem>>, vector<16xf32>,
      %mul3A_983 = arith.mulf %get3A_978, %get3A_982 : vector<16xf32>
      %add3A_984 = arith.addf %add3A_974, %mul3A_983 : vector<16xf32>
      %get3A_985 = arith.constant 5 : i32
      %get3A_986 = arith.index_cast %get3A_985 : i32 to index
      %get3A_987 = arith.constant 48 : index
      %get3A_988 = tpu.vector_load %arg9[%get3A_986, %get3A_987] {strides = array<i32>} : memref<16x64xf32, #tpu.memory_space<vmem>>, vector<16xf32>,
      %get3A_989 = arith.constant 5 : i32
      %get3A_990 = arith.index_cast %get3A_989 : i32 to index
      %get3A_991 = arith.constant 48 : index
      %get3A_992 = tpu.vector_load %arg10[%get3A_990, %get3A_991] {strides = array<i32>} : memref<16x64xf32, #tpu.memory_space<vmem>>, vector<16xf32>,
      %mul3A_993 = arith.mulf %get3A_988, %get3A_992 : vector<16xf32>
      %add3A_994 = arith.addf %add3A_984, %mul3A_993 : vector<16xf32>
      %eq3A_995 = arith.constant 5 : i32
      %eq3A_996 = vector.broadcast %eq3A_995 : i32 to vector<16xi32>
      %eq3A_997 = arith.cmpi eq, %iota3A, %eq3A_996 : vector<16xi32>
      %reduce_sum3A_998 = arith.constant true
      %reduce_sum3A_999 = vector.broadcast %reduce_sum3A_998 : i1 to vector<16xi1>
      %reduce_sum3A_1000 = tpu.scan <sum>, %add3A_994 masked %reduce_sum3A_999 : vector<16xf32>, vector<16xi1> -> vector<16xf32>
      %reduce_sum3A_1001 = vector.extract %reduce_sum3A_1000[15] : f32 from vector<16xf32>
      %broadcast_in_dim3A_1002 = vector.broadcast %reduce_sum3A_1001 : f32 to vector<16xf32>
      %select_n3A_1003 = arith.select %eq3A_997, %broadcast_in_dim3A_1002, %select_n3A_955 : vector<16xi1>, vector<16xf32>
      %get3A_1004 = arith.constant 6 : i32
      %get3A_1005 = arith.index_cast %get3A_1004 : i32 to index
      %get3A_1006 = arith.constant 0 : index
      %get3A_1007 = tpu.vector_load %arg9[%get3A_1005, %get3A_1006] {strides = array<i32>} : memref<16x64xf32, #tpu.memory_space<vmem>>, vector<16xf32>,
      %get3A_1008 = arith.constant 6 : i32
      %get3A_1009 = arith.index_cast %get3A_1008 : i32 to index
      %get3A_1010 = arith.constant 0 : index
      %get3A_1011 = tpu.vector_load %arg10[%get3A_1009, %get3A_1010] {strides = array<i32>} : memref<16x64xf32, #tpu.memory_space<vmem>>, vector<16xf32>,
      %mul3A_1012 = arith.mulf %get3A_1007, %get3A_1011 : vector<16xf32>
      %get3A_1013 = arith.constant 6 : i32
      %get3A_1014 = arith.index_cast %get3A_1013 : i32 to index
      %get3A_1015 = arith.constant 16 : index
      %get3A_1016 = tpu.vector_load %arg9[%get3A_1014, %get3A_1015] {strides = array<i32>} : memref<16x64xf32, #tpu.memory_space<vmem>>, vector<16xf32>,
      %get3A_1017 = arith.constant 6 : i32
      %get3A_1018 = arith.index_cast %get3A_1017 : i32 to index
      %get3A_1019 = arith.constant 16 : index
      %get3A_1020 = tpu.vector_load %arg10[%get3A_1018, %get3A_1019] {strides = array<i32>} : memref<16x64xf32, #tpu.memory_space<vmem>>, vector<16xf32>,
      %mul3A_1021 = arith.mulf %get3A_1016, %get3A_1020 : vector<16xf32>
      %add3A_1022 = arith.addf %mul3A_1012, %mul3A_1021 : vector<16xf32>
      %get3A_1023 = arith.constant 6 : i32
      %get3A_1024 = arith.index_cast %get3A_1023 : i32 to index
      %get3A_1025 = arith.constant 32 : index
      %get3A_1026 = tpu.vector_load %arg9[%get3A_1024, %get3A_1025] {strides = array<i32>} : memref<16x64xf32, #tpu.memory_space<vmem>>, vector<16xf32>,
      %get3A_1027 = arith.constant 6 : i32
      %get3A_1028 = arith.index_cast %get3A_1027 : i32 to index
      %get3A_1029 = arith.constant 32 : index
      %get3A_1030 = tpu.vector_load %arg10[%get3A_1028, %get3A_1029] {strides = array<i32>} : memref<16x64xf32, #tpu.memory_space<vmem>>, vector<16xf32>,
      %mul3A_1031 = arith.mulf %get3A_1026, %get3A_1030 : vector<16xf32>
      %add3A_1032 = arith.addf %add3A_1022, %mul3A_1031 : vector<16xf32>
      %get3A_1033 = arith.constant 6 : i32
      %get3A_1034 = arith.index_cast %get3A_1033 : i32 to index
      %get3A_1035 = arith.constant 48 : index
      %get3A_1036 = tpu.vector_load %arg9[%get3A_1034, %get3A_1035] {strides = array<i32>} : memref<16x64xf32, #tpu.memory_space<vmem>>, vector<16xf32>,
      %get3A_1037 = arith.constant 6 : i32
      %get3A_1038 = arith.index_cast %get3A_1037 : i32 to index
      %get3A_1039 = arith.constant 48 : index
      %get3A_1040 = tpu.vector_load %arg10[%get3A_1038, %get3A_1039] {strides = array<i32>} : memref<16x64xf32, #tpu.memory_space<vmem>>, vector<16xf32>,
      %mul3A_1041 = arith.mulf %get3A_1036, %get3A_1040 : vector<16xf32>
      %add3A_1042 = arith.addf %add3A_1032, %mul3A_1041 : vector<16xf32>
      %eq3A_1043 = arith.constant 6 : i32
      %eq3A_1044 = vector.broadcast %eq3A_1043 : i32 to vector<16xi32>
      %eq3A_1045 = arith.cmpi eq, %iota3A, %eq3A_1044 : vector<16xi32>
      %reduce_sum3A_1046 = arith.constant true
      %reduce_sum3A_1047 = vector.broadcast %reduce_sum3A_1046 : i1 to vector<16xi1>
      %reduce_sum3A_1048 = tpu.scan <sum>, %add3A_1042 masked %reduce_sum3A_1047 : vector<16xf32>, vector<16xi1> -> vector<16xf32>
      %reduce_sum3A_1049 = vector.extract %reduce_sum3A_1048[15] : f32 from vector<16xf32>
      %broadcast_in_dim3A_1050 = vector.broadcast %reduce_sum3A_1049 : f32 to vector<16xf32>
      %select_n3A_1051 = arith.select %eq3A_1045, %broadcast_in_dim3A_1050, %select_n3A_1003 : vector<16xi1>, vector<16xf32>
      %get3A_1052 = arith.constant 7 : i32
      %get3A_1053 = arith.index_cast %get3A_1052 : i32 to index
      %get3A_1054 = arith.constant 0 : index
      %get3A_1055 = tpu.vector_load %arg9[%get3A_1053, %get3A_1054] {strides = array<i32>} : memref<16x64xf32, #tpu.memory_space<vmem>>, vector<16xf32>,
      %get3A_1056 = arith.constant 7 : i32
      %get3A_1057 = arith.index_cast %get3A_1056 : i32 to index
      %get3A_1058 = arith.constant 0 : index
      %get3A_1059 = tpu.vector_load %arg10[%get3A_1057, %get3A_1058] {strides = array<i32>} : memref<16x64xf32, #tpu.memory_space<vmem>>, vector<16xf32>,
      %mul3A_1060 = arith.mulf %get3A_1055, %get3A_1059 : vector<16xf32>
      %get3A_1061 = arith.constant 7 : i32
      %get3A_1062 = arith.index_cast %get3A_1061 : i32 to index
      %get3A_1063 = arith.constant 16 : index
      %get3A_1064 = tpu.vector_load %arg9[%get3A_1062, %get3A_1063] {strides = array<i32>} : memref<16x64xf32, #tpu.memory_space<vmem>>, vector<16xf32>,
      %get3A_1065 = arith.constant 7 : i32
      %get3A_1066 = arith.index_cast %get3A_1065 : i32 to index
      %get3A_1067 = arith.constant 16 : index
      %get3A_1068 = tpu.vector_load %arg10[%get3A_1066, %get3A_1067] {strides = array<i32>} : memref<16x64xf32, #tpu.memory_space<vmem>>, vector<16xf32>,
      %mul3A_1069 = arith.mulf %get3A_1064, %get3A_1068 : vector<16xf32>
      %add3A_1070 = arith.addf %mul3A_1060, %mul3A_1069 : vector<16xf32>
      %get3A_1071 = arith.constant 7 : i32
      %get3A_1072 = arith.index_cast %get3A_1071 : i32 to index
      %get3A_1073 = arith.constant 32 : index
      %get3A_1074 = tpu.vector_load %arg9[%get3A_1072, %get3A_1073] {strides = array<i32>} : memref<16x64xf32, #tpu.memory_space<vmem>>, vector<16xf32>,
      %get3A_1075 = arith.constant 7 : i32
      %get3A_1076 = arith.index_cast %get3A_1075 : i32 to index
      %get3A_1077 = arith.constant 32 : index
      %get3A_1078 = tpu.vector_load %arg10[%get3A_1076, %get3A_1077] {strides = array<i32>} : memref<16x64xf32, #tpu.memory_space<vmem>>, vector<16xf32>,
      %mul3A_1079 = arith.mulf %get3A_1074, %get3A_1078 : vector<16xf32>
      %add3A_1080 = arith.addf %add3A_1070, %mul3A_1079 : vector<16xf32>
      %get3A_1081 = arith.constant 7 : i32
      %get3A_1082 = arith.index_cast %get3A_1081 : i32 to index
      %get3A_1083 = arith.constant 48 : index
      %get3A_1084 = tpu.vector_load %arg9[%get3A_1082, %get3A_1083] {strides = array<i32>} : memref<16x64xf32, #tpu.memory_space<vmem>>, vector<16xf32>,
      %get3A_1085 = arith.constant 7 : i32
      %get3A_1086 = arith.index_cast %get3A_1085 : i32 to index
      %get3A_1087 = arith.constant 48 : index
      %get3A_1088 = tpu.vector_load %arg10[%get3A_1086, %get3A_1087] {strides = array<i32>} : memref<16x64xf32, #tpu.memory_space<vmem>>, vector<16xf32>,
      %mul3A_1089 = arith.mulf %get3A_1084, %get3A_1088 : vector<16xf32>
      %add3A_1090 = arith.addf %add3A_1080, %mul3A_1089 : vector<16xf32>
      %eq3A_1091 = arith.constant 7 : i32
      %eq3A_1092 = vector.broadcast %eq3A_1091 : i32 to vector<16xi32>
      %eq3A_1093 = arith.cmpi eq, %iota3A, %eq3A_1092 : vector<16xi32>
      %reduce_sum3A_1094 = arith.constant true
      %reduce_sum3A_1095 = vector.broadcast %reduce_sum3A_1094 : i1 to vector<16xi1>
      %reduce_sum3A_1096 = tpu.scan <sum>, %add3A_1090 masked %reduce_sum3A_1095 : vector<16xf32>, vector<16xi1> -> vector<16xf32>
      %reduce_sum3A_1097 = vector.extract %reduce_sum3A_1096[15] : f32 from vector<16xf32>
      %broadcast_in_dim3A_1098 = vector.broadcast %reduce_sum3A_1097 : f32 to vector<16xf32>
      %select_n3A_1099 = arith.select %eq3A_1093, %broadcast_in_dim3A_1098, %select_n3A_1051 : vector<16xi1>, vector<16xf32>
      %get3A_1100 = arith.constant 8 : i32
      %get3A_1101 = arith.index_cast %get3A_1100 : i32 to index
      %get3A_1102 = arith.constant 0 : index
      %get3A_1103 = tpu.vector_load %arg9[%get3A_1101, %get3A_1102] {strides = array<i32>} : memref<16x64xf32, #tpu.memory_space<vmem>>, vector<16xf32>,
      %get3A_1104 = arith.constant 8 : i32
      %get3A_1105 = arith.index_cast %get3A_1104 : i32 to index
      %get3A_1106 = arith.constant 0 : index
      %get3A_1107 = tpu.vector_load %arg10[%get3A_1105, %get3A_1106] {strides = array<i32>} : memref<16x64xf32, #tpu.memory_space<vmem>>, vector<16xf32>,
      %mul3A_1108 = arith.mulf %get3A_1103, %get3A_1107 : vector<16xf32>
      %get3A_1109 = arith.constant 8 : i32
      %get3A_1110 = arith.index_cast %get3A_1109 : i32 to index
      %get3A_1111 = arith.constant 16 : index
      %get3A_1112 = tpu.vector_load %arg9[%get3A_1110, %get3A_1111] {strides = array<i32>} : memref<16x64xf32, #tpu.memory_space<vmem>>, vector<16xf32>,
      %get3A_1113 = arith.constant 8 : i32
      %get3A_1114 = arith.index_cast %get3A_1113 : i32 to index
      %get3A_1115 = arith.constant 16 : index
      %get3A_1116 = tpu.vector_load %arg10[%get3A_1114, %get3A_1115] {strides = array<i32>} : memref<16x64xf32, #tpu.memory_space<vmem>>, vector<16xf32>,
      %mul3A_1117 = arith.mulf %get3A_1112, %get3A_1116 : vector<16xf32>
      %add3A_1118 = arith.addf %mul3A_1108, %mul3A_1117 : vector<16xf32>
      %get3A_1119 = arith.constant 8 : i32
      %get3A_1120 = arith.index_cast %get3A_1119 : i32 to index
      %get3A_1121 = arith.constant 32 : index
      %get3A_1122 = tpu.vector_load %arg9[%get3A_1120, %get3A_1121] {strides = array<i32>} : memref<16x64xf32, #tpu.memory_space<vmem>>, vector<16xf32>,
      %get3A_1123 = arith.constant 8 : i32
      %get3A_1124 = arith.index_cast %get3A_1123 : i32 to index
      %get3A_1125 = arith.constant 32 : index
      %get3A_1126 = tpu.vector_load %arg10[%get3A_1124, %get3A_1125] {strides = array<i32>} : memref<16x64xf32, #tpu.memory_space<vmem>>, vector<16xf32>,
      %mul3A_1127 = arith.mulf %get3A_1122, %get3A_1126 : vector<16xf32>
      %add3A_1128 = arith.addf %add3A_1118, %mul3A_1127 : vector<16xf32>
      %get3A_1129 = arith.constant 8 : i32
      %get3A_1130 = arith.index_cast %get3A_1129 : i32 to index
      %get3A_1131 = arith.constant 48 : index
      %get3A_1132 = tpu.vector_load %arg9[%get3A_1130, %get3A_1131] {strides = array<i32>} : memref<16x64xf32, #tpu.memory_space<vmem>>, vector<16xf32>,
      %get3A_1133 = arith.constant 8 : i32
      %get3A_1134 = arith.index_cast %get3A_1133 : i32 to index
      %get3A_1135 = arith.constant 48 : index
      %get3A_1136 = tpu.vector_load %arg10[%get3A_1134, %get3A_1135] {strides = array<i32>} : memref<16x64xf32, #tpu.memory_space<vmem>>, vector<16xf32>,
      %mul3A_1137 = arith.mulf %get3A_1132, %get3A_1136 : vector<16xf32>
      %add3A_1138 = arith.addf %add3A_1128, %mul3A_1137 : vector<16xf32>
      %eq3A_1139 = arith.constant 8 : i32
      %eq3A_1140 = vector.broadcast %eq3A_1139 : i32 to vector<16xi32>
      %eq3A_1141 = arith.cmpi eq, %iota3A, %eq3A_1140 : vector<16xi32>
      %reduce_sum3A_1142 = arith.constant true
      %reduce_sum3A_1143 = vector.broadcast %reduce_sum3A_1142 : i1 to vector<16xi1>
      %reduce_sum3A_1144 = tpu.scan <sum>, %add3A_1138 masked %reduce_sum3A_1143 : vector<16xf32>, vector<16xi1> -> vector<16xf32>
      %reduce_sum3A_1145 = vector.extract %reduce_sum3A_1144[15] : f32 from vector<16xf32>
      %broadcast_in_dim3A_1146 = vector.broadcast %reduce_sum3A_1145 : f32 to vector<16xf32>
      %select_n3A_1147 = arith.select %eq3A_1141, %broadcast_in_dim3A_1146, %select_n3A_1099 : vector<16xi1>, vector<16xf32>
      %get3A_1148 = arith.constant 9 : i32
      %get3A_1149 = arith.index_cast %get3A_1148 : i32 to index
      %get3A_1150 = arith.constant 0 : index
      %get3A_1151 = tpu.vector_load %arg9[%get3A_1149, %get3A_1150] {strides = array<i32>} : memref<16x64xf32, #tpu.memory_space<vmem>>, vector<16xf32>,
      %get3A_1152 = arith.constant 9 : i32
      %get3A_1153 = arith.index_cast %get3A_1152 : i32 to index
      %get3A_1154 = arith.constant 0 : index
      %get3A_1155 = tpu.vector_load %arg10[%get3A_1153, %get3A_1154] {strides = array<i32>} : memref<16x64xf32, #tpu.memory_space<vmem>>, vector<16xf32>,
      %mul3A_1156 = arith.mulf %get3A_1151, %get3A_1155 : vector<16xf32>
      %get3A_1157 = arith.constant 9 : i32
      %get3A_1158 = arith.index_cast %get3A_1157 : i32 to index
      %get3A_1159 = arith.constant 16 : index
      %get3A_1160 = tpu.vector_load %arg9[%get3A_1158, %get3A_1159] {strides = array<i32>} : memref<16x64xf32, #tpu.memory_space<vmem>>, vector<16xf32>,
      %get3A_1161 = arith.constant 9 : i32
      %get3A_1162 = arith.index_cast %get3A_1161 : i32 to index
      %get3A_1163 = arith.constant 16 : index
      %get3A_1164 = tpu.vector_load %arg10[%get3A_1162, %get3A_1163] {strides = array<i32>} : memref<16x64xf32, #tpu.memory_space<vmem>>, vector<16xf32>,
      %mul3A_1165 = arith.mulf %get3A_1160, %get3A_1164 : vector<16xf32>
      %add3A_1166 = arith.addf %mul3A_1156, %mul3A_1165 : vector<16xf32>
      %get3A_1167 = arith.constant 9 : i32
      %get3A_1168 = arith.index_cast %get3A_1167 : i32 to index
      %get3A_1169 = arith.constant 32 : index
      %get3A_1170 = tpu.vector_load %arg9[%get3A_1168, %get3A_1169] {strides = array<i32>} : memref<16x64xf32, #tpu.memory_space<vmem>>, vector<16xf32>,
      %get3A_1171 = arith.constant 9 : i32
      %get3A_1172 = arith.index_cast %get3A_1171 : i32 to index
      %get3A_1173 = arith.constant 32 : index
      %get3A_1174 = tpu.vector_load %arg10[%get3A_1172, %get3A_1173] {strides = array<i32>} : memref<16x64xf32, #tpu.memory_space<vmem>>, vector<16xf32>,
      %mul3A_1175 = arith.mulf %get3A_1170, %get3A_1174 : vector<16xf32>
      %add3A_1176 = arith.addf %add3A_1166, %mul3A_1175 : vector<16xf32>
      %get3A_1177 = arith.constant 9 : i32
      %get3A_1178 = arith.index_cast %get3A_1177 : i32 to index
      %get3A_1179 = arith.constant 48 : index
      %get3A_1180 = tpu.vector_load %arg9[%get3A_1178, %get3A_1179] {strides = array<i32>} : memref<16x64xf32, #tpu.memory_space<vmem>>, vector<16xf32>,
      %get3A_1181 = arith.constant 9 : i32
      %get3A_1182 = arith.index_cast %get3A_1181 : i32 to index
      %get3A_1183 = arith.constant 48 : index
      %get3A_1184 = tpu.vector_load %arg10[%get3A_1182, %get3A_1183] {strides = array<i32>} : memref<16x64xf32, #tpu.memory_space<vmem>>, vector<16xf32>,
      %mul3A_1185 = arith.mulf %get3A_1180, %get3A_1184 : vector<16xf32>
      %add3A_1186 = arith.addf %add3A_1176, %mul3A_1185 : vector<16xf32>
      %eq3A_1187 = arith.constant 9 : i32
      %eq3A_1188 = vector.broadcast %eq3A_1187 : i32 to vector<16xi32>
      %eq3A_1189 = arith.cmpi eq, %iota3A, %eq3A_1188 : vector<16xi32>
      %reduce_sum3A_1190 = arith.constant true
      %reduce_sum3A_1191 = vector.broadcast %reduce_sum3A_1190 : i1 to vector<16xi1>
      %reduce_sum3A_1192 = tpu.scan <sum>, %add3A_1186 masked %reduce_sum3A_1191 : vector<16xf32>, vector<16xi1> -> vector<16xf32>
      %reduce_sum3A_1193 = vector.extract %reduce_sum3A_1192[15] : f32 from vector<16xf32>
      %broadcast_in_dim3A_1194 = vector.broadcast %reduce_sum3A_1193 : f32 to vector<16xf32>
      %select_n3A_1195 = arith.select %eq3A_1189, %broadcast_in_dim3A_1194, %select_n3A_1147 : vector<16xi1>, vector<16xf32>
      %get3A_1196 = arith.constant 10 : i32
      %get3A_1197 = arith.index_cast %get3A_1196 : i32 to index
      %get3A_1198 = arith.constant 0 : index
      %get3A_1199 = tpu.vector_load %arg9[%get3A_1197, %get3A_1198] {strides = array<i32>} : memref<16x64xf32, #tpu.memory_space<vmem>>, vector<16xf32>,
      %get3A_1200 = arith.constant 10 : i32
      %get3A_1201 = arith.index_cast %get3A_1200 : i32 to index
      %get3A_1202 = arith.constant 0 : index
      %get3A_1203 = tpu.vector_load %arg10[%get3A_1201, %get3A_1202] {strides = array<i32>} : memref<16x64xf32, #tpu.memory_space<vmem>>, vector<16xf32>,
      %mul3A_1204 = arith.mulf %get3A_1199, %get3A_1203 : vector<16xf32>
      %get3A_1205 = arith.constant 10 : i32
      %get3A_1206 = arith.index_cast %get3A_1205 : i32 to index
      %get3A_1207 = arith.constant 16 : index
      %get3A_1208 = tpu.vector_load %arg9[%get3A_1206, %get3A_1207] {strides = array<i32>} : memref<16x64xf32, #tpu.memory_space<vmem>>, vector<16xf32>,
      %get3A_1209 = arith.constant 10 : i32
      %get3A_1210 = arith.index_cast %get3A_1209 : i32 to index
      %get3A_1211 = arith.constant 16 : index
      %get3A_1212 = tpu.vector_load %arg10[%get3A_1210, %get3A_1211] {strides = array<i32>} : memref<16x64xf32, #tpu.memory_space<vmem>>, vector<16xf32>,
      %mul3A_1213 = arith.mulf %get3A_1208, %get3A_1212 : vector<16xf32>
      %add3A_1214 = arith.addf %mul3A_1204, %mul3A_1213 : vector<16xf32>
      %get3A_1215 = arith.constant 10 : i32
      %get3A_1216 = arith.index_cast %get3A_1215 : i32 to index
      %get3A_1217 = arith.constant 32 : index
      %get3A_1218 = tpu.vector_load %arg9[%get3A_1216, %get3A_1217] {strides = array<i32>} : memref<16x64xf32, #tpu.memory_space<vmem>>, vector<16xf32>,
      %get3A_1219 = arith.constant 10 : i32
      %get3A_1220 = arith.index_cast %get3A_1219 : i32 to index
      %get3A_1221 = arith.constant 32 : index
      %get3A_1222 = tpu.vector_load %arg10[%get3A_1220, %get3A_1221] {strides = array<i32>} : memref<16x64xf32, #tpu.memory_space<vmem>>, vector<16xf32>,
      %mul3A_1223 = arith.mulf %get3A_1218, %get3A_1222 : vector<16xf32>
      %add3A_1224 = arith.addf %add3A_1214, %mul3A_1223 : vector<16xf32>
      %get3A_1225 = arith.constant 10 : i32
      %get3A_1226 = arith.index_cast %get3A_1225 : i32 to index
      %get3A_1227 = arith.constant 48 : index
      %get3A_1228 = tpu.vector_load %arg9[%get3A_1226, %get3A_1227] {strides = array<i32>} : memref<16x64xf32, #tpu.memory_space<vmem>>, vector<16xf32>,
      %get3A_1229 = arith.constant 10 : i32
      %get3A_1230 = arith.index_cast %get3A_1229 : i32 to index
      %get3A_1231 = arith.constant 48 : index
      %get3A_1232 = tpu.vector_load %arg10[%get3A_1230, %get3A_1231] {strides = array<i32>} : memref<16x64xf32, #tpu.memory_space<vmem>>, vector<16xf32>,
      %mul3A_1233 = arith.mulf %get3A_1228, %get3A_1232 : vector<16xf32>
      %add3A_1234 = arith.addf %add3A_1224, %mul3A_1233 : vector<16xf32>
      %eq3A_1235 = arith.constant 10 : i32
      %eq3A_1236 = vector.broadcast %eq3A_1235 : i32 to vector<16xi32>
      %eq3A_1237 = arith.cmpi eq, %iota3A, %eq3A_1236 : vector<16xi32>
      %reduce_sum3A_1238 = arith.constant true
      %reduce_sum3A_1239 = vector.broadcast %reduce_sum3A_1238 : i1 to vector<16xi1>
      %reduce_sum3A_1240 = tpu.scan <sum>, %add3A_1234 masked %reduce_sum3A_1239 : vector<16xf32>, vector<16xi1> -> vector<16xf32>
      %reduce_sum3A_1241 = vector.extract %reduce_sum3A_1240[15] : f32 from vector<16xf32>
      %broadcast_in_dim3A_1242 = vector.broadcast %reduce_sum3A_1241 : f32 to vector<16xf32>
      %select_n3A_1243 = arith.select %eq3A_1237, %broadcast_in_dim3A_1242, %select_n3A_1195 : vector<16xi1>, vector<16xf32>
      %get3A_1244 = arith.constant 11 : i32
      %get3A_1245 = arith.index_cast %get3A_1244 : i32 to index
      %get3A_1246 = arith.constant 0 : index
      %get3A_1247 = tpu.vector_load %arg9[%get3A_1245, %get3A_1246] {strides = array<i32>} : memref<16x64xf32, #tpu.memory_space<vmem>>, vector<16xf32>,
      %get3A_1248 = arith.constant 11 : i32
      %get3A_1249 = arith.index_cast %get3A_1248 : i32 to index
      %get3A_1250 = arith.constant 0 : index
      %get3A_1251 = tpu.vector_load %arg10[%get3A_1249, %get3A_1250] {strides = array<i32>} : memref<16x64xf32, #tpu.memory_space<vmem>>, vector<16xf32>,
      %mul3A_1252 = arith.mulf %get3A_1247, %get3A_1251 : vector<16xf32>
      %get3A_1253 = arith.constant 11 : i32
      %get3A_1254 = arith.index_cast %get3A_1253 : i32 to index
      %get3A_1255 = arith.constant 16 : index
      %get3A_1256 = tpu.vector_load %arg9[%get3A_1254, %get3A_1255] {strides = array<i32>} : memref<16x64xf32, #tpu.memory_space<vmem>>, vector<16xf32>,
      %get3A_1257 = arith.constant 11 : i32
      %get3A_1258 = arith.index_cast %get3A_1257 : i32 to index
      %get3A_1259 = arith.constant 16 : index
      %get3A_1260 = tpu.vector_load %arg10[%get3A_1258, %get3A_1259] {strides = array<i32>} : memref<16x64xf32, #tpu.memory_space<vmem>>, vector<16xf32>,
      %mul3A_1261 = arith.mulf %get3A_1256, %get3A_1260 : vector<16xf32>
      %add3A_1262 = arith.addf %mul3A_1252, %mul3A_1261 : vector<16xf32>
      %get3A_1263 = arith.constant 11 : i32
      %get3A_1264 = arith.index_cast %get3A_1263 : i32 to index
      %get3A_1265 = arith.constant 32 : index
      %get3A_1266 = tpu.vector_load %arg9[%get3A_1264, %get3A_1265] {strides = array<i32>} : memref<16x64xf32, #tpu.memory_space<vmem>>, vector<16xf32>,
      %get3A_1267 = arith.constant 11 : i32
      %get3A_1268 = arith.index_cast %get3A_1267 : i32 to index
      %get3A_1269 = arith.constant 32 : index
      %get3A_1270 = tpu.vector_load %arg10[%get3A_1268, %get3A_1269] {strides = array<i32>} : memref<16x64xf32, #tpu.memory_space<vmem>>, vector<16xf32>,
      %mul3A_1271 = arith.mulf %get3A_1266, %get3A_1270 : vector<16xf32>
      %add3A_1272 = arith.addf %add3A_1262, %mul3A_1271 : vector<16xf32>
      %get3A_1273 = arith.constant 11 : i32
      %get3A_1274 = arith.index_cast %get3A_1273 : i32 to index
      %get3A_1275 = arith.constant 48 : index
      %get3A_1276 = tpu.vector_load %arg9[%get3A_1274, %get3A_1275] {strides = array<i32>} : memref<16x64xf32, #tpu.memory_space<vmem>>, vector<16xf32>,
      %get3A_1277 = arith.constant 11 : i32
      %get3A_1278 = arith.index_cast %get3A_1277 : i32 to index
      %get3A_1279 = arith.constant 48 : index
      %get3A_1280 = tpu.vector_load %arg10[%get3A_1278, %get3A_1279] {strides = array<i32>} : memref<16x64xf32, #tpu.memory_space<vmem>>, vector<16xf32>,
      %mul3A_1281 = arith.mulf %get3A_1276, %get3A_1280 : vector<16xf32>
      %add3A_1282 = arith.addf %add3A_1272, %mul3A_1281 : vector<16xf32>
      %eq3A_1283 = arith.constant 11 : i32
      %eq3A_1284 = vector.broadcast %eq3A_1283 : i32 to vector<16xi32>
      %eq3A_1285 = arith.cmpi eq, %iota3A, %eq3A_1284 : vector<16xi32>
      %reduce_sum3A_1286 = arith.constant true
      %reduce_sum3A_1287 = vector.broadcast %reduce_sum3A_1286 : i1 to vector<16xi1>
      %reduce_sum3A_1288 = tpu.scan <sum>, %add3A_1282 masked %reduce_sum3A_1287 : vector<16xf32>, vector<16xi1> -> vector<16xf32>
      %reduce_sum3A_1289 = vector.extract %reduce_sum3A_1288[15] : f32 from vector<16xf32>
      %broadcast_in_dim3A_1290 = vector.broadcast %reduce_sum3A_1289 : f32 to vector<16xf32>
      %select_n3A_1291 = arith.select %eq3A_1285, %broadcast_in_dim3A_1290, %select_n3A_1243 : vector<16xi1>, vector<16xf32>
      %get3A_1292 = arith.constant 12 : i32
      %get3A_1293 = arith.index_cast %get3A_1292 : i32 to index
      %get3A_1294 = arith.constant 0 : index
      %get3A_1295 = tpu.vector_load %arg9[%get3A_1293, %get3A_1294] {strides = array<i32>} : memref<16x64xf32, #tpu.memory_space<vmem>>, vector<16xf32>,
      %get3A_1296 = arith.constant 12 : i32
      %get3A_1297 = arith.index_cast %get3A_1296 : i32 to index
      %get3A_1298 = arith.constant 0 : index
      %get3A_1299 = tpu.vector_load %arg10[%get3A_1297, %get3A_1298] {strides = array<i32>} : memref<16x64xf32, #tpu.memory_space<vmem>>, vector<16xf32>,
      %mul3A_1300 = arith.mulf %get3A_1295, %get3A_1299 : vector<16xf32>
      %get3A_1301 = arith.constant 12 : i32
      %get3A_1302 = arith.index_cast %get3A_1301 : i32 to index
      %get3A_1303 = arith.constant 16 : index
      %get3A_1304 = tpu.vector_load %arg9[%get3A_1302, %get3A_1303] {strides = array<i32>} : memref<16x64xf32, #tpu.memory_space<vmem>>, vector<16xf32>,
      %get3A_1305 = arith.constant 12 : i32
      %get3A_1306 = arith.index_cast %get3A_1305 : i32 to index
      %get3A_1307 = arith.constant 16 : index
      %get3A_1308 = tpu.vector_load %arg10[%get3A_1306, %get3A_1307] {strides = array<i32>} : memref<16x64xf32, #tpu.memory_space<vmem>>, vector<16xf32>,
      %mul3A_1309 = arith.mulf %get3A_1304, %get3A_1308 : vector<16xf32>
      %add3A_1310 = arith.addf %mul3A_1300, %mul3A_1309 : vector<16xf32>
      %get3A_1311 = arith.constant 12 : i32
      %get3A_1312 = arith.index_cast %get3A_1311 : i32 to index
      %get3A_1313 = arith.constant 32 : index
      %get3A_1314 = tpu.vector_load %arg9[%get3A_1312, %get3A_1313] {strides = array<i32>} : memref<16x64xf32, #tpu.memory_space<vmem>>, vector<16xf32>,
      %get3A_1315 = arith.constant 12 : i32
      %get3A_1316 = arith.index_cast %get3A_1315 : i32 to index
      %get3A_1317 = arith.constant 32 : index
      %get3A_1318 = tpu.vector_load %arg10[%get3A_1316, %get3A_1317] {strides = array<i32>} : memref<16x64xf32, #tpu.memory_space<vmem>>, vector<16xf32>,
      %mul3A_1319 = arith.mulf %get3A_1314, %get3A_1318 : vector<16xf32>
      %add3A_1320 = arith.addf %add3A_1310, %mul3A_1319 : vector<16xf32>
      %get3A_1321 = arith.constant 12 : i32
      %get3A_1322 = arith.index_cast %get3A_1321 : i32 to index
      %get3A_1323 = arith.constant 48 : index
      %get3A_1324 = tpu.vector_load %arg9[%get3A_1322, %get3A_1323] {strides = array<i32>} : memref<16x64xf32, #tpu.memory_space<vmem>>, vector<16xf32>,
      %get3A_1325 = arith.constant 12 : i32
      %get3A_1326 = arith.index_cast %get3A_1325 : i32 to index
      %get3A_1327 = arith.constant 48 : index
      %get3A_1328 = tpu.vector_load %arg10[%get3A_1326, %get3A_1327] {strides = array<i32>} : memref<16x64xf32, #tpu.memory_space<vmem>>, vector<16xf32>,
      %mul3A_1329 = arith.mulf %get3A_1324, %get3A_1328 : vector<16xf32>
      %add3A_1330 = arith.addf %add3A_1320, %mul3A_1329 : vector<16xf32>
      %eq3A_1331 = arith.constant 12 : i32
      %eq3A_1332 = vector.broadcast %eq3A_1331 : i32 to vector<16xi32>
      %eq3A_1333 = arith.cmpi eq, %iota3A, %eq3A_1332 : vector<16xi32>
      %reduce_sum3A_1334 = arith.constant true
      %reduce_sum3A_1335 = vector.broadcast %reduce_sum3A_1334 : i1 to vector<16xi1>
      %reduce_sum3A_1336 = tpu.scan <sum>, %add3A_1330 masked %reduce_sum3A_1335 : vector<16xf32>, vector<16xi1> -> vector<16xf32>
      %reduce_sum3A_1337 = vector.extract %reduce_sum3A_1336[15] : f32 from vector<16xf32>
      %broadcast_in_dim3A_1338 = vector.broadcast %reduce_sum3A_1337 : f32 to vector<16xf32>
      %select_n3A_1339 = arith.select %eq3A_1333, %broadcast_in_dim3A_1338, %select_n3A_1291 : vector<16xi1>, vector<16xf32>
      %get3A_1340 = arith.constant 13 : i32
      %get3A_1341 = arith.index_cast %get3A_1340 : i32 to index
      %get3A_1342 = arith.constant 0 : index
      %get3A_1343 = tpu.vector_load %arg9[%get3A_1341, %get3A_1342] {strides = array<i32>} : memref<16x64xf32, #tpu.memory_space<vmem>>, vector<16xf32>,
      %get3A_1344 = arith.constant 13 : i32
      %get3A_1345 = arith.index_cast %get3A_1344 : i32 to index
      %get3A_1346 = arith.constant 0 : index
      %get3A_1347 = tpu.vector_load %arg10[%get3A_1345, %get3A_1346] {strides = array<i32>} : memref<16x64xf32, #tpu.memory_space<vmem>>, vector<16xf32>,
      %mul3A_1348 = arith.mulf %get3A_1343, %get3A_1347 : vector<16xf32>
      %get3A_1349 = arith.constant 13 : i32
      %get3A_1350 = arith.index_cast %get3A_1349 : i32 to index
      %get3A_1351 = arith.constant 16 : index
      %get3A_1352 = tpu.vector_load %arg9[%get3A_1350, %get3A_1351] {strides = array<i32>} : memref<16x64xf32, #tpu.memory_space<vmem>>, vector<16xf32>,
      %get3A_1353 = arith.constant 13 : i32
      %get3A_1354 = arith.index_cast %get3A_1353 : i32 to index
      %get3A_1355 = arith.constant 16 : index
      %get3A_1356 = tpu.vector_load %arg10[%get3A_1354, %get3A_1355] {strides = array<i32>} : memref<16x64xf32, #tpu.memory_space<vmem>>, vector<16xf32>,
      %mul3A_1357 = arith.mulf %get3A_1352, %get3A_1356 : vector<16xf32>
      %add3A_1358 = arith.addf %mul3A_1348, %mul3A_1357 : vector<16xf32>
      %get3A_1359 = arith.constant 13 : i32
      %get3A_1360 = arith.index_cast %get3A_1359 : i32 to index
      %get3A_1361 = arith.constant 32 : index
      %get3A_1362 = tpu.vector_load %arg9[%get3A_1360, %get3A_1361] {strides = array<i32>} : memref<16x64xf32, #tpu.memory_space<vmem>>, vector<16xf32>,
      %get3A_1363 = arith.constant 13 : i32
      %get3A_1364 = arith.index_cast %get3A_1363 : i32 to index
      %get3A_1365 = arith.constant 32 : index
      %get3A_1366 = tpu.vector_load %arg10[%get3A_1364, %get3A_1365] {strides = array<i32>} : memref<16x64xf32, #tpu.memory_space<vmem>>, vector<16xf32>,
      %mul3A_1367 = arith.mulf %get3A_1362, %get3A_1366 : vector<16xf32>
      %add3A_1368 = arith.addf %add3A_1358, %mul3A_1367 : vector<16xf32>
      %get3A_1369 = arith.constant 13 : i32
      %get3A_1370 = arith.index_cast %get3A_1369 : i32 to index
      %get3A_1371 = arith.constant 48 : index
      %get3A_1372 = tpu.vector_load %arg9[%get3A_1370, %get3A_1371] {strides = array<i32>} : memref<16x64xf32, #tpu.memory_space<vmem>>, vector<16xf32>,
      %get3A_1373 = arith.constant 13 : i32
      %get3A_1374 = arith.index_cast %get3A_1373 : i32 to index
      %get3A_1375 = arith.constant 48 : index
      %get3A_1376 = tpu.vector_load %arg10[%get3A_1374, %get3A_1375] {strides = array<i32>} : memref<16x64xf32, #tpu.memory_space<vmem>>, vector<16xf32>,
      %mul3A_1377 = arith.mulf %get3A_1372, %get3A_1376 : vector<16xf32>
      %add3A_1378 = arith.addf %add3A_1368, %mul3A_1377 : vector<16xf32>
      %eq3A_1379 = arith.constant 13 : i32
      %eq3A_1380 = vector.broadcast %eq3A_1379 : i32 to vector<16xi32>
      %eq3A_1381 = arith.cmpi eq, %iota3A, %eq3A_1380 : vector<16xi32>
      %reduce_sum3A_1382 = arith.constant true
      %reduce_sum3A_1383 = vector.broadcast %reduce_sum3A_1382 : i1 to vector<16xi1>
      %reduce_sum3A_1384 = tpu.scan <sum>, %add3A_1378 masked %reduce_sum3A_1383 : vector<16xf32>, vector<16xi1> -> vector<16xf32>
      %reduce_sum3A_1385 = vector.extract %reduce_sum3A_1384[15] : f32 from vector<16xf32>
      %broadcast_in_dim3A_1386 = vector.broadcast %reduce_sum3A_1385 : f32 to vector<16xf32>
      %select_n3A_1387 = arith.select %eq3A_1381, %broadcast_in_dim3A_1386, %select_n3A_1339 : vector<16xi1>, vector<16xf32>
      %get3A_1388 = arith.constant 14 : i32
      %get3A_1389 = arith.index_cast %get3A_1388 : i32 to index
      %get3A_1390 = arith.constant 0 : index
      %get3A_1391 = tpu.vector_load %arg9[%get3A_1389, %get3A_1390] {strides = array<i32>} : memref<16x64xf32, #tpu.memory_space<vmem>>, vector<16xf32>,
      %get3A_1392 = arith.constant 14 : i32
      %get3A_1393 = arith.index_cast %get3A_1392 : i32 to index
      %get3A_1394 = arith.constant 0 : index
      %get3A_1395 = tpu.vector_load %arg10[%get3A_1393, %get3A_1394] {strides = array<i32>} : memref<16x64xf32, #tpu.memory_space<vmem>>, vector<16xf32>,
      %mul3A_1396 = arith.mulf %get3A_1391, %get3A_1395 : vector<16xf32>
      %get3A_1397 = arith.constant 14 : i32
      %get3A_1398 = arith.index_cast %get3A_1397 : i32 to index
      %get3A_1399 = arith.constant 16 : index
      %get3A_1400 = tpu.vector_load %arg9[%get3A_1398, %get3A_1399] {strides = array<i32>} : memref<16x64xf32, #tpu.memory_space<vmem>>, vector<16xf32>,
      %get3A_1401 = arith.constant 14 : i32
      %get3A_1402 = arith.index_cast %get3A_1401 : i32 to index
      %get3A_1403 = arith.constant 16 : index
      %get3A_1404 = tpu.vector_load %arg10[%get3A_1402, %get3A_1403] {strides = array<i32>} : memref<16x64xf32, #tpu.memory_space<vmem>>, vector<16xf32>,
      %mul3A_1405 = arith.mulf %get3A_1400, %get3A_1404 : vector<16xf32>
      %add3A_1406 = arith.addf %mul3A_1396, %mul3A_1405 : vector<16xf32>
      %get3A_1407 = arith.constant 14 : i32
      %get3A_1408 = arith.index_cast %get3A_1407 : i32 to index
      %get3A_1409 = arith.constant 32 : index
      %get3A_1410 = tpu.vector_load %arg9[%get3A_1408, %get3A_1409] {strides = array<i32>} : memref<16x64xf32, #tpu.memory_space<vmem>>, vector<16xf32>,
      %get3A_1411 = arith.constant 14 : i32
      %get3A_1412 = arith.index_cast %get3A_1411 : i32 to index
      %get3A_1413 = arith.constant 32 : index
      %get3A_1414 = tpu.vector_load %arg10[%get3A_1412, %get3A_1413] {strides = array<i32>} : memref<16x64xf32, #tpu.memory_space<vmem>>, vector<16xf32>,
      %mul3A_1415 = arith.mulf %get3A_1410, %get3A_1414 : vector<16xf32>
      %add3A_1416 = arith.addf %add3A_1406, %mul3A_1415 : vector<16xf32>
      %get3A_1417 = arith.constant 14 : i32
      %get3A_1418 = arith.index_cast %get3A_1417 : i32 to index
      %get3A_1419 = arith.constant 48 : index
      %get3A_1420 = tpu.vector_load %arg9[%get3A_1418, %get3A_1419] {strides = array<i32>} : memref<16x64xf32, #tpu.memory_space<vmem>>, vector<16xf32>,
      %get3A_1421 = arith.constant 14 : i32
      %get3A_1422 = arith.index_cast %get3A_1421 : i32 to index
      %get3A_1423 = arith.constant 48 : index
      %get3A_1424 = tpu.vector_load %arg10[%get3A_1422, %get3A_1423] {strides = array<i32>} : memref<16x64xf32, #tpu.memory_space<vmem>>, vector<16xf32>,
      %mul3A_1425 = arith.mulf %get3A_1420, %get3A_1424 : vector<16xf32>
      %add3A_1426 = arith.addf %add3A_1416, %mul3A_1425 : vector<16xf32>
      %eq3A_1427 = arith.constant 14 : i32
      %eq3A_1428 = vector.broadcast %eq3A_1427 : i32 to vector<16xi32>
      %eq3A_1429 = arith.cmpi eq, %iota3A, %eq3A_1428 : vector<16xi32>
      %reduce_sum3A_1430 = arith.constant true
      %reduce_sum3A_1431 = vector.broadcast %reduce_sum3A_1430 : i1 to vector<16xi1>
      %reduce_sum3A_1432 = tpu.scan <sum>, %add3A_1426 masked %reduce_sum3A_1431 : vector<16xf32>, vector<16xi1> -> vector<16xf32>
      %reduce_sum3A_1433 = vector.extract %reduce_sum3A_1432[15] : f32 from vector<16xf32>
      %broadcast_in_dim3A_1434 = vector.broadcast %reduce_sum3A_1433 : f32 to vector<16xf32>
      %select_n3A_1435 = arith.select %eq3A_1429, %broadcast_in_dim3A_1434, %select_n3A_1387 : vector<16xi1>, vector<16xf32>
      %get3A_1436 = arith.constant 15 : i32
      %get3A_1437 = arith.index_cast %get3A_1436 : i32 to index
      %get3A_1438 = arith.constant 0 : index
      %get3A_1439 = tpu.vector_load %arg9[%get3A_1437, %get3A_1438] {strides = array<i32>} : memref<16x64xf32, #tpu.memory_space<vmem>>, vector<16xf32>,
      %get3A_1440 = arith.constant 15 : i32
      %get3A_1441 = arith.index_cast %get3A_1440 : i32 to index
      %get3A_1442 = arith.constant 0 : index
      %get3A_1443 = tpu.vector_load %arg10[%get3A_1441, %get3A_1442] {strides = array<i32>} : memref<16x64xf32, #tpu.memory_space<vmem>>, vector<16xf32>,
      %mul3A_1444 = arith.mulf %get3A_1439, %get3A_1443 : vector<16xf32>
      %get3A_1445 = arith.constant 15 : i32
      %get3A_1446 = arith.index_cast %get3A_1445 : i32 to index
      %get3A_1447 = arith.constant 16 : index
      %get3A_1448 = tpu.vector_load %arg9[%get3A_1446, %get3A_1447] {strides = array<i32>} : memref<16x64xf32, #tpu.memory_space<vmem>>, vector<16xf32>,
      %get3A_1449 = arith.constant 15 : i32
      %get3A_1450 = arith.index_cast %get3A_1449 : i32 to index
      %get3A_1451 = arith.constant 16 : index
      %get3A_1452 = tpu.vector_load %arg10[%get3A_1450, %get3A_1451] {strides = array<i32>} : memref<16x64xf32, #tpu.memory_space<vmem>>, vector<16xf32>,
      %mul3A_1453 = arith.mulf %get3A_1448, %get3A_1452 : vector<16xf32>
      %add3A_1454 = arith.addf %mul3A_1444, %mul3A_1453 : vector<16xf32>
      %get3A_1455 = arith.constant 15 : i32
      %get3A_1456 = arith.index_cast %get3A_1455 : i32 to index
      %get3A_1457 = arith.constant 32 : index
      %get3A_1458 = tpu.vector_load %arg9[%get3A_1456, %get3A_1457] {strides = array<i32>} : memref<16x64xf32, #tpu.memory_space<vmem>>, vector<16xf32>,
      %get3A_1459 = arith.constant 15 : i32
      %get3A_1460 = arith.index_cast %get3A_1459 : i32 to index
      %get3A_1461 = arith.constant 32 : index
      %get3A_1462 = tpu.vector_load %arg10[%get3A_1460, %get3A_1461] {strides = array<i32>} : memref<16x64xf32, #tpu.memory_space<vmem>>, vector<16xf32>,
      %mul3A_1463 = arith.mulf %get3A_1458, %get3A_1462 : vector<16xf32>
      %add3A_1464 = arith.addf %add3A_1454, %mul3A_1463 : vector<16xf32>
      %get3A_1465 = arith.constant 15 : i32
      %get3A_1466 = arith.index_cast %get3A_1465 : i32 to index
      %get3A_1467 = arith.constant 48 : index
      %get3A_1468 = tpu.vector_load %arg9[%get3A_1466, %get3A_1467] {strides = array<i32>} : memref<16x64xf32, #tpu.memory_space<vmem>>, vector<16xf32>,
      %get3A_1469 = arith.constant 15 : i32
      %get3A_1470 = arith.index_cast %get3A_1469 : i32 to index
      %get3A_1471 = arith.constant 48 : index
      %get3A_1472 = tpu.vector_load %arg10[%get3A_1470, %get3A_1471] {strides = array<i32>} : memref<16x64xf32, #tpu.memory_space<vmem>>, vector<16xf32>,
      %mul3A_1473 = arith.mulf %get3A_1468, %get3A_1472 : vector<16xf32>
      %add3A_1474 = arith.addf %add3A_1464, %mul3A_1473 : vector<16xf32>
      %eq3A_1475 = arith.constant 15 : i32
      %eq3A_1476 = vector.broadcast %eq3A_1475 : i32 to vector<16xi32>
      %eq3A_1477 = arith.cmpi eq, %iota3A, %eq3A_1476 : vector<16xi32>
      %reduce_sum3A_1478 = arith.constant true
      %reduce_sum3A_1479 = vector.broadcast %reduce_sum3A_1478 : i1 to vector<16xi1>
      %reduce_sum3A_1480 = tpu.scan <sum>, %add3A_1474 masked %reduce_sum3A_1479 : vector<16xf32>, vector<16xi1> -> vector<16xf32>
      %reduce_sum3A_1481 = vector.extract %reduce_sum3A_1480[15] : f32 from vector<16xf32>
      %broadcast_in_dim3A_1482 = vector.broadcast %reduce_sum3A_1481 : f32 to vector<16xf32>
      %select_n3A_1483 = arith.select %eq3A_1477, %broadcast_in_dim3A_1482, %select_n3A_1435 : vector<16xi1>, vector<16xf32>
      %add3A_1484 = arith.constant 0 : i32
      %add3A_1485 = arith.addi %mul3A_10, %add3A_1484 : i32
      %swap3A = arith.index_cast %add3A_1485 : i32 to index
      %swap3A_1486 = tpu.vector_load %arg11[%swap3A] {strides = array<i32>} : memref<512xf32, #tpu.memory_space<vmem>>, vector<16xf32>,
      tpu.vector_store %arg11[%swap3A], %select_n3A_1483 {strides = array<i32>} : memref<512xf32, #tpu.memory_space<vmem>>, vector<16xf32>,
    }
    %scan3A_7 = arith.constant 32 : i32
    "tpu.region"() ({
      %run_scoped3A = tpu.sem_alloc : memref<!tpu.dma_semaphore, #tpu.memory_space<semaphore_mem>>
      %dma_start3A = tpu.memref_slice %arg6[%mul3A_2] : memref<16384xf32, #tpu.memory_space<hbm>> -> memref<512xf32, #tpu.memory_space<hbm>>
      %dma_start3A_8 = tpu.memref_slice %arg6[%mul3A_2] : memref<16384xf32, #tpu.memory_space<hbm>> -> memref<512xf32, #tpu.memory_space<hbm>>
      tpu.enqueue_dma source(%arg11 : memref<512xf32, #tpu.memory_space<vmem>>) target(%dma_start3A_8 : memref<512xf32, #tpu.memory_space<hbm>>) target_semaphore(%run_scoped3A : memref<!tpu.dma_semaphore, #tpu.memory_space<semaphore_mem>>)
      %dma_wait3A = tpu.memref_slice %arg6[%mul3A_2] : memref<16384xf32, #tpu.memory_space<hbm>> -> memref<512xf32, #tpu.memory_space<hbm>>
      %dma_wait3A_9 = tpu.memref_slice %arg6[%mul3A_2] : memref<16384xf32, #tpu.memory_space<hbm>> -> memref<512xf32, #tpu.memory_space<hbm>>
      tpu.wait_dma2 semaphore(%run_scoped3A : memref<!tpu.dma_semaphore, #tpu.memory_space<semaphore_mem>>) src(%arg11 : memref<512xf32, #tpu.memory_space<vmem>>) dst(%dma_wait3A_9 : memref<512xf32, #tpu.memory_space<hbm>>)
      tpu.yield
    }) : () -> ()
    return
  }
}

</mosaic_0001>

<sc_bundles>
// kernel: kernel.3.cloned.1.call-start
scs
__scs_entry_jumppad:
0x0: {  	(pc) =	sbr.rel $0x88, $3  }
0x1: {  	(tag) =	ssettag $0x0;
	lr =	simm.s32 $0x1  }
0x2: {  	[smem:$0x3F9D] =	sst lr;
	_ =	strace $0xD0000000  }
0x3: {  	_ = 	snop  }
0x4: {  	_ = 	snop  }
0x5: {  	_ = 	snop  }
0x6: {  	_ = 	snop  }
0x7: {  	_ = 	snop  }
__scs_overlays_trampoline_lowered:
0x8: {  	[smem:$0x3FAC] =	sst s0  }
0x9: {  	[smem:$0x3FAD] =	sst s1  }
0xa: {  	[smem:$0x3FAE] =	sst s2  }
0xb: {  	[smem:$0x3FAF] =	sst s3  }
0xc: {  	[smem:$0x3FB0] =	sst s4  }
0xd: {  	[smem:$0x3FB1] =	sst s5  }
0xe: {  	[smem:$0x3FB2] =	sst s6  }
0xf: {  	[smem:$0x3FB3] =	sst s7  }
0x10: {  	[smem:$0x3FB4] =	sst s8  }
0x11: {  	[smem:$0x3FB5] =	sst s9;
	s0 =	simm.s32 @!p0 $0x0  }
0x12: {  	s1 =	sld [smem:$0x3F9B];
	s0 =	simm.s32 @p0 $0x1  }
0x13: {  	[smem:$0x3FB6] =	sst s0;
	s0 =	simm.s32 @!p1 $0x0  }
0x14: {  	s2 =	sld [smem:$0x3F9A];
	s0 =	simm.s32 @p1 $0x1  }
0x15: {  	[smem:$0x3FB7] =	sst s0;
	s0 =	simm.s32 @!p2 $0x0  }
0x16: {  	s3 =	sld [smem:$0x3FDB];
	s0 =	simm.s32 @p2 $0x1  }
0x17: {  	s4 =	simm.s32 $0x1BF5;
	[smem:$0x3FB9] =	sst s0  }
0x18: {  	s0 =	sld [smem:$0x3F9C];
	_ =	swait.ge [sflag:s4], $0x0  }
0x19: {  	s7 =	sld [smem:$0x3F9D]  }
0x1a: {  	s8 =	sadd.s32 $0xFFFFE003, lr  }
0x1b: {  	s9 =	sadd.s32 $0xFFFFFEF7, lr;
	s5 =	simm.s32 $0xFFFFFFFF;
	p2 =	slt.u32 s8, $0xFFFFF086  }
0x1c: {  	p1 =	slt.u32 s9, $0xF7A;
	s5 =	simm.s32 @!p2 $0x0  }
0x1d: {  	s5 =	simm.s32 @p1 $0x1;
	p0 =	seq.s32 s7, s2  }
0x1e: {  	s7 =	smul.u32 @!p0 $0xF7A, s2;
	p2 =	seq.s32 @!p0 s5, $0x0  }
0x1f: {  	s9 =	smul.u32 $0xF7A, s1;
	s8 =	simm.s32 @!p0 $0x1BF5;
	p2 =	por !p2, p0  }
0x20: {  	[sflag:s8] =	ssyncset.s32 @!p0 $0xFFFFF086;
	s6 =	sadd.s32 @!p0 s3, s7;
	s7 =	simm.s32 @!p0 $0x108  }
0x21: {  	s3 =	sadd.s32 s3, s9;
	s6 =	sadd.s32 @!p0 $0x88, s6;
	s7 =	simm.s32 @p2 $0x1082  }
0x22: {  	[simem:s7], [sflag:s8] =	dma.local @!p0 [hbm:s6], $0xF7A  }
0x23: {  	s9 =	sor.u32 $0xD0000000, s2;
	s6 =	simm.s32 $0x108;
	_ =	swait.ge @!p0 [sflag:s8], $0x0  }
0x24: {  	s3 =	sadd.s32 $0x88, s3;
	s6 =	simm.s32 @!p1 $0x1082;
	[sflag:s4] =	ssyncset.s32 $0xFFFFF086  }
0x25: {  	[simem:s6], [sflag:s4] =	dma.local [hbm:s3], $0xF7A  }
0x26: {  	[smem:$0x3F9D] =	sst s1;
	(tag) =	ssettag s2;
	_ =	strace s9  }
0x27: {  	s1 =	sld [smem:$0x3FAD]  }
0x28: {  	s2 =	sld [smem:$0x3FAE]  }
0x29: {  	s4 =	sld [smem:$0x3FB0]  }
0x2a: {  	p0 =	seq.s32 s5, $0x0;
	s5 =	sld [smem:$0x3FB1]  }
0x2b: {  	s6 =	sld [smem:$0x3FB2]  }
0x2c: {  	s7 =	sld [smem:$0x3FB3]  }
0x2d: {  	s3 =	simm.s32 $0x108;
	s8 =	sld [smem:$0x3FB4]  }
0x2e: {  	s3 =	simm.s32 @!p0 $0x1082;
	s9 =	sld [smem:$0x3FB5]  }
0x2f: {  	lr =	sadd.s32 s0, s3;
	s0 =	sld [smem:$0x3FAC]  }
0x30: {  	s3 =	sld [smem:$0x3FAF]  }
0x31: {  	[smem:$0x3FB8] =	sst s10  }
0x32: {  	s10 =	sld [smem:$0x3FB6];
	_ =	sdelay $0x3  }
0x33: {  	p0 =	seq.s32 s10, $0x1;
	s10 =	sld [smem:$0x3FB8];
	_ =	sdelay $0x3  }
0x34: {  	[smem:$0x3FB8] =	sst s10  }
0x35: {  	s10 =	sld [smem:$0x3FB7];
	_ =	sdelay $0x3  }
0x36: {  	p1 =	seq.s32 s10, $0x1;
	s10 =	sld [smem:$0x3FB8];
	_ =	sdelay $0x3  }
0x37: {  	[smem:$0x3FB8] =	sst s10  }
0x38: {  	s10 =	sld [smem:$0x3FB9]  }
0x39: {  	_ = 	snop;
	(pc) =	sbr.ind lr, $3  }
0x3a: {  	_ = 	snop  }
0x3b: {  	_ = 	snop  }
0x3c: {  	p2 =	seq.s32 s10, $0x1;
	s10 =	sld [smem:$0x3FB8]  }
0x3d: {  	_ =	shalt  }
0x3e: {  	_ =	shalt  }
0x3f: {  	_ =	shalt  }
0x40: {  	_ =	shalt  }
0x41: {  	_ =	shalt  }
0x42: {  	_ =	shalt  }
0x43: {  	_ =	shalt  }
0x44: {  	_ =	shalt  }
0x45: {  	_ =	shalt  }
0x46: {  	_ =	shalt  }
0x47: {  	_ =	shalt  }
0x48: {  	_ =	shalt  }
0x49: {  	_ =	shalt  }
0x4a: {  	_ =	shalt  }
0x4b: {  	_ =	shalt  }
0x4c: {  	_ =	shalt  }
0x4d: {  	_ =	shalt  }
0x4e: {  	_ =	shalt  }
0x4f: {  	_ =	shalt  }
0x50: {  	_ =	shalt  }
0x51: {  	_ =	shalt  }
0x52: {  	_ =	shalt  }
0x53: {  	_ =	shalt  }
0x54: {  	_ =	shalt  }
0x55: {  	_ =	shalt  }
0x56: {  	_ =	shalt  }
0x57: {  	_ =	shalt  }
0x58: {  	_ =	shalt  }
0x59: {  	_ =	shalt  }
0x5a: {  	_ =	shalt  }
0x5b: {  	_ =	shalt  }
0x5c: {  	_ =	shalt  }
0x5d: {  	_ =	shalt  }
0x5e: {  	_ =	shalt  }
0x5f: {  	_ =	shalt  }
0x60: {  	_ =	shalt  }
0x61: {  	_ =	shalt  }
0x62: {  	_ =	shalt  }
0x63: {  	_ =	shalt  }
0x64: {  	_ =	shalt  }
0x65: {  	_ =	shalt  }
0x66: {  	_ =	shalt  }
0x67: {  	_ =	shalt  }
0x68: {  	_ =	shalt  }
0x69: {  	_ =	shalt  }
0x6a: {  	_ =	shalt  }
0x6b: {  	_ =	shalt  }
0x6c: {  	_ =	shalt  }
0x6d: {  	_ =	shalt  }
0x6e: {  	_ =	shalt  }
0x6f: {  	_ =	shalt  }
0x70: {  	_ =	shalt  }
0x71: {  	_ =	shalt  }
0x72: {  	_ =	shalt  }
0x73: {  	_ =	shalt  }
0x74: {  	_ =	shalt  }
0x75: {  	_ =	shalt  }
0x76: {  	_ =	shalt  }
0x77: {  	_ =	shalt  }
0x78: {  	_ =	shalt  }
0x79: {  	_ =	shalt  }
0x7a: {  	_ =	shalt  }
0x7b: {  	_ =	shalt  }
0x7c: {  	_ =	shalt  }
0x7d: {  	_ =	shalt  }
0x7e: {  	_ =	shalt  }
0x7f: {  	_ =	shalt  }
0x80: {  	_ =	shalt  }
0x81: {  	_ =	shalt  }
0x82: {  	_ =	shalt  }
0x83: {  	_ =	shalt  }
0x84: {  	_ =	shalt  }
0x85: {  	_ =	shalt  }
0x86: {  	_ =	shalt  }
0x87: {  	_ =	shalt  }
.Lfunc_end0:
.L_simem_size_0:
called_computation_lowered:
.L_overlay_start_0:
0x88: {  	s2 =	sld [smem:$0x3FD9]  }
0x89: {  	s3 =	sld [smem:$0x3FFE];
	_ =	sdelay $0x1  }
0x8a: {  	s1 =	srdreg.scid  }
0x8b: {  	s0 =	sand.u32 $0x1, s1  }
0x8c: {  	s17 =	sshll.u32 s0, $0xA;
	s2 =	sadd.s32 s3, s2  }
0x8d: {  	s2 =	sadd.s32 s2, s17  }
0x8e: {  	[smem:$0x3FC4] =	sst s2  }
0x8f: {  	_ = 	snop  }
0x90: {  	s2 =	sld [smem:$0x3FC9]  }
0x91: {  	s18 =	sld [smem:$0x3FC8]  }
0x92: {  	s4 =	sld [smem:$0x3FD0];
	(tm) =	ssettm $0x1  }
0x93: {  	s5 =	sld [smem:$0x3FFB];
	_ =	sdelay $0x3  }
0x94: {  	_ =	strace s5  }
0x95: {  	s5 =	sld [smem:$0x3FFC];
	_ =	sdelay $0x3  }
0x96: {  	_ =	strace s5  }
0x97: {  	s5 =	sld [smem:$0x3FFD];
	_ =	sdelay $0x3  }
0x98: {  	_ =	strace s5  }
0x99: {  	_ =	strace $0x8FFFFFFF  }
0x9a: {  	s19 =	sld [smem:$0x3FDB];
	_ =	sdelay $0x1  }
0x9b: {  	s6 =	simm.s32 $_scs_section_size  }
0x9c: {  	s7 =	simm.s32 $_size__tile_overlayer_lowered;
	s8 =	simm.s32 $_tile_overlayer_lowered  }
0x9d: {  	s22 =	simm.s32 $0x1BFF;
	s21 =	sshll.u32 s8, $0x1;
	s5 =	sadd.s32 s6, s19  }
0x9e: {  	s9 =	simm.s32 $0x0;
	s20 =	sshll.u32 s7, $0x1;
	s7 =	sadd.s32 s21, s5  }
0x9f: {  	[timem:s9], [sflag:s22] =	dma.local [hbm:s7], s20  }
0xa0: {  	_ =	swait.ge [sflag:s22], s20  }
0xa1: {  	s6 =	ssub.s32 $0x0, s20;
	[sflag:s22] =	ssyncset.done $0x0  }
0xa2: {  	[sflag:s22] =	ssyncadd.s32 s6;
	_ =	sdelay $0x1  }
0xa3: {  	s23 =	simm.s32 $0x1B8B  }
0xa4: {  	_ =	swait.ge [sflag:s23], $0x1  }
0xa5: {  	[sflag:s23] =	ssyncset.done $0x0  }
0xa6: {  	s25 =	simm.s32 $0x1B8E;
	s24 =	sld [smem:$0x3FFE];
	[sflag:s23] =	ssyncadd.s32 $0xFFFFFFFF  }
0xa7: {  	s26 =	simm.s32 $execute0_lowered;
	[smem:$0x3FD2] =	sst s25  }
0xa8: {  	s7 =	sshll.u32 s26, $0x1;
	_ =	strace $0x80000046;
	[dreg:$0x1] =	wrdreg $0xFFFFFFFF  }
0xa9: {  	s28 =	simm.s32 $_size_execute0_lowered;
	s5 =	sadd.s32 s5, s7;
	[dreg:$0x0] =	wrdreg $0x0  }
0xaa: {  	s7 =	sshll.u32 s28, $0x1;
	[dreg:$0x2] =	wrdreg s5  }
0xab: {  	[dreg:$0x3] =	wrdreg s7  }
0xac: {  	[dreg:$0x4] =	wrdreg $0xC0  }
0xad: {  	_ =	task [dreg:s9], $0x5FFFF  }
0xae: {  	[dreg:$0x1] =	wrdreg $0xFFFFFFFF  }
0xaf: {  	[dreg:$0x0] =	wrdreg $0x60  }
0xb0: {  	[dreg:$0x2] =	wrdreg s2  }
0xb1: {  	[dreg:$0x3] =	wrdreg s18  }
0xb2: {  	[dreg:$0x4] =	wrdreg s24  }
0xb3: {  	[dreg:$0x5] =	wrdreg s4  }
0xb4: {  	[dreg:$0x6] =	wrdreg $0x9  }
0xb5: {  	_ =	task.clear_ibuf [dreg:s9], $0x7FFFF;
	_ =	strace $0x90000046  }
0xb6: {  	s29 =	simm.s32 $0x9;
	_ =	strace $0x80000048  }
0xb7: {  	_ =	swait.ge [sflag:s29], $0x1  }
0xb8: {  	[sflag:s29] =	ssyncadd.s32 $0xFFFFFFFF  }
0xb9: {  	_ =	strace $0x90000048  }
0xba: {  	_ =	sfence  }
0xbb: {  	s30 =	sld [smem:$0x0];
	_ =	sdelay $0x2  }
0xbc: {  	s31 =	sshll.u32 s1, $0xD;
	s1 =	sshrl.u32 s1, $0x2  }
0xbd: {  	s3 =	sand.u32 $0x4000, s31;
	s1 =	sadd.s32 s1, s30  }
0xbe: {  	s0 =	sor.u32 s3, s0;
	s1 =	sshll.u32 s1, $0x11  }
0xbf: {  	s0 =	sor.u32 s1, s0  }
0xc0: {  	s0 =	sadd.s32 $0x8F2B, s0  }
0xc1: {  	[sflag:s0] =	ssyncadd.remote.s32 $0x1  }
0xc2: {  	_ =	sfence.sel $0xFFFF  }
0xc3: {  	[dreg:$0x0] =	wrdreg $0xFFFFFFFF;
	(pc) =	sbr.abs _section_cstart, $3  }
0xc4: {  	[dreg:$0x1] =	wrdreg $0xFFFFFFFF  }
0xc5: {  	_ =	task.clear_ibuf [dreg:s9], $0x2FFFF;
	_ =	strace $0x9FFFFFFF  }
0xc6: {  	(tm) =	ssettm $0x7FFFFFFF  }
0xc7: {  	_ =	shalt  }
tec
execute0_lowered:
.L_overlay_start_1:
0x0: {  	(tag) =	ssettag $0x1  }
0x1: {  	s5 =	rddreg [dreg:$0x0]  }
0x2: {  	s6 =	rddreg [dreg:$0x1]  }
0x3: {  	s3 =	rddreg [dreg:$0x2]  }
0x4: {  	s7 =	rddreg [dreg:$0x3]  }
0x5: {  	s0 =	rddreg [dreg:$0x4];
	s1 =	simm.s32 $0x0  }
0x6: {  	s2 =	simm.s32 $0x400;
	[smem:$0x7FF] =	sst s1  }
0x7: {  	s25 =	simm.s32 $0xC00;
	_ =	strace $0x80000047;
	[dreg:$0x5] =	wrdreg s2  }
0x8: {  	s26 =	simm.s32 $0x480;
	[dreg:$0x6] =	wrdreg s25  }
0x9: {  	s28 =	simm.s32 $0xC80;
	[dreg:$0x7] =	wrdreg s26  }
0xa: {  	s29 =	simm.s32 $0x500;
	[dreg:$0x8] =	wrdreg s28  }
0xb: {  	s30 =	simm.s32 $0xD00;
	[dreg:$0x9] =	wrdreg s29  }
0xc: {  	s31 =	simm.s32 $0x580;
	[dreg:$0xa] =	wrdreg s30  }
0xd: {  	s4 =	simm.s32 $0xD80;
	[dreg:$0xb] =	wrdreg s31  }
0xe: {  	s8 =	simm.s32 $0x600;
	[dreg:$0xc] =	wrdreg s4  }
0xf: {  	s9 =	simm.s32 $0xE00;
	[dreg:$0xd] =	wrdreg s8  }
0x10: {  	s10 =	simm.s32 $0x680;
	[dreg:$0xe] =	wrdreg s9  }
0x11: {  	s11 =	simm.s32 $0xE80;
	[dreg:$0xf] =	wrdreg s10  }
0x12: {  	s12 =	simm.s32 $0x700;
	[dreg:$0x10] =	wrdreg s11  }
0x13: {  	s13 =	simm.s32 $0xF00;
	[dreg:$0x11] =	wrdreg s12  }
0x14: {  	s14 =	simm.s32 $0x780;
	[dreg:$0x12] =	wrdreg s13  }
0x15: {  	s15 =	simm.s32 $0x800;
	[dreg:$0x13] =	wrdreg s14  }
0x16: {  	s16 =	simm.s32 $0x1000;
	[dreg:$0x15] =	wrdreg s15  }
0x17: {  	s17 =	simm.s32 $0x1080;
	[dreg:$0x16] =	wrdreg s16  }
0x18: {  	s18 =	simm.s32 $0x900;
	[dreg:$0x18] =	wrdreg s17  }
0x19: {  	s19 =	simm.s32 $0x1100;
	[dreg:$0x19] =	wrdreg s18  }
0x1a: {  	s20 =	simm.s32 $0x980;
	[dreg:$0x1a] =	wrdreg s19  }
0x1b: {  	s21 =	simm.s32 $0x1180;
	[dreg:$0x1b] =	wrdreg s20  }
0x1c: {  	s23 =	simm.s32 $0xA00;
	s24 =	simm.s32 $0x1200;
	[dreg:$0x1c] =	wrdreg s21  }
0x1d: {  	s4 =	simm.s32 $0xF80;
	s2 =	sadd.s32 $0x400, s3;
	[dreg:$0x1d] =	wrdreg s23  }
0x1e: {  	s3 =	sadd.s32 $0xF42800, s3;
	s8 =	srdreg.scid;
	[dreg:$0x1e] =	wrdreg s24  }
0x1f: {  	s9 =	simm.s32 $0x880;
	s25 =	simm.s32 $0xA80;
	[dreg:$0x14] =	wrdreg s4  }
0x20: {  	s26 =	simm.s32 $0x1280;
	s28 =	simm.s32 $0xB00;
	[dreg:$0x17] =	wrdreg s9  }
0x21: {  	s29 =	simm.s32 $0x1300;
	s30 =	simm.s32 $0xB80;
	[dreg:$0x1f] =	wrdreg s25  }
0x22: {  	s31 =	simm.s32 $0x1380;
	s12 =	simm.s32 $0x2;
	[smem:$0x7F9] =	sst s26  }
0x23: {  	s13 =	simm.s32 $0x1400;
	s14 =	simm.s32 $0x0;
	[smem:$0x7FA] =	sst s28  }
0x24: {  	s4 =	stileid.u32;
	s8 =	sand.u32 $0x1, s8;
	[smem:$0x7FB] =	sst s29  }
0x25: {  	vm0 =	vmmov $0x1;
	vm1 =	vmmov $0x3;
	vm2 =	vmmov $0x7;
	s9 =	simm.s32 $0x3;
	[smem:$0x7FC] =	sst s30;
	s10 =	ssub.s32 $0x2, s8  }
0x26: {  	vm3 =	vmmov $0xf;
	vm4 =	vmmov $0x1f;
	vm5 =	vmmov $0x3f;
	s22 =	sshll.u32 s4, $0x7;
	s8 =	sshll.u32 s8, $0x6;
	s11 =	sshrl.u32 s10, $0x1  }
0x27: {  	vm6 =	vmmov $0x7f;
	vm7 =	vmmov $0xff;
	vm8 =	vmmov $0x1ff;
	[smem:$0x7FD] =	sst s31;
	s8 =	sor.u32 s8, s22;
	s10 =	ssub.s32 s10, s11  }
0x28: {  	vm9 =	vmmov $0x3ff;
	vm10 =	vmmov $0x7ff;
	vm11 =	vmmov $0xfff;
	s5 =	sadd.s32 s5, s8;
	s6 =	sadd.s32 s6, s8;
	s7 =	sadd.s32 s7, s8  }
0x29: {  	vm12 =	vmmov $0x1fff;
	vm13 =	vmmov $0x3fff;
	vm14 =	vmmov $0x7fff;
	s11 =	simm.s32 $0x1;
	s8 =	smax.u32 s10, $0x1;
	s10 =	simm.s32 $0x200  }
.LBB2_1:
0x2a: {  	[tilespmem:s1], [sflag:$0x3] =	stream.linear.gather [hbm4b:s5+s1], $0x200, $0x38;
	[tilespmem:$0x1600] =	vst v63  }
0x2b: {  	_ =	swait.ge [sflag:s9], $0x200  }
0x2c: {  	[sflag:s9] =	ssyncset.done $0x0  }
0x2d: {  	[sflag:s9] =	ssyncadd.s32 $0xFFFFFE00  }
0x2e: {  	[tilespmem:s10], [sflag:$0x3] =	stream.linear.gather [hbm4b:s6+s1], $0x200, $0x38;
	[tilespmem:$0x1600] =	vst v63  }
0x2f: {  	_ =	swait.ge [sflag:s9], $0x200  }
0x30: {  	[sflag:s9] =	ssyncset.done $0x0  }
0x31: {  	s15 =	simm.s32 $0x0;
	[sflag:s9] =	ssyncadd.s32 $0xFFFFFE00  }
.LBB2_2:
0x32: {  	s16 =	sshra.s32 s15, $0x2  }
0x33: {  	v0 =	vld [tilespmem:s16+$0x0];
	_ =	sdelay $0x1  }
0x34: {  	v2 =	vld [tilespmem:s16+$0x200];
	_ =	sdelay $0x2  }
0x35: {  	v1 =	vshll.u32 v0, $0x4  }
0x36: {  	(v2sf) =	vpush v1, $0x0  }
0x37: {  	v52 =	vshll.u32 v2, $0x4  }
0x38: {  	(v2sf) =	vpush v52, $0x0;
	_ =	sdelay $0x1  }
0x39: {  	(v2sf) =	vpush v1, $0x1;
	_ =	sdelay $0x2  }
0x3a: {  	(v2sf) =	vpush v52, $0x1;
	_ =	sdelay $0x7  }
0x3b: {  	s17 =	spop (v2sf);
	(v2sf) =	vpush v1, $0x2;
	_ =	sdelay $0x1  }
0x3c: {  	s30 =	spop (v2sf);
	(v2sf) =	vpush v52, $0x2;
	_ =	sdelay $0x1  }
0x3d: {  	s19 =	spop (v2sf);
	(v2sf) =	vpush v1, $0x3;
	_ =	sdelay $0x2  }
0x3e: {  	s21 =	spop (v2sf);
	(v2sf) =	vpush v52, $0x3;
	_ =	sdelay $0x4  }
0x3f: {  	s17 =	sand.u32 $0x1FFFFFF0, s17  }
0x40: {  	s18 =	rddreg [dreg:$0x5];
	s17 =	sadd.s32 s2, s17  }
0x41: {  	[tilespmem:s18], [sflag:$0x1] =	stream.linear.gather [hbm4b:s17+s1], $0x80, $0x38;
	[tilespmem:$0x1600] =	vst v63  }
0x42: {  	s23 =	spop (v2sf);
	(v2sf) =	vpush v1, $0x4  }
0x43: {  	s17 =	sand.u32 $0x1FFFFFF0, s30  }
0x44: {  	s31 =	rddreg [dreg:$0x6];
	s17 =	sadd.s32 s3, s17;
	s25 =	spop (v2sf);
	(v2sf) =	vpush v52, $0x4  }
0x45: {  	[tilespmem:s31], [sflag:$0x2] =	stream.linear.gather [hbm4b:s17+s1], $0x80, $0x38;
	[tilespmem:$0x1600] =	vst v63  }
0x46: {  	s17 =	sand.u32 $0x1FFFFFF0, s19;
	s28 =	spop (v2sf);
	(v2sf) =	vpush v1, $0x5  }
0x47: {  	s20 =	rddreg [dreg:$0x7];
	s17 =	sadd.s32 s2, s17  }
0x48: {  	[tilespmem:s20], [sflag:$0x1] =	stream.linear.gather [hbm4b:s17+s1], $0x80, $0x38;
	[tilespmem:$0x1600] =	vst v63  }
0x49: {  	s30 =	spop (v2sf);
	(v2sf) =	vpush v52, $0x5  }
0x4a: {  	s17 =	sand.u32 $0x1FFFFFF0, s21  }
0x4b: {  	s22 =	rddreg [dreg:$0x8];
	s17 =	sadd.s32 s3, s17  }
0x4c: {  	[tilespmem:s22], [sflag:$0x2] =	stream.linear.gather [hbm4b:s17+s1], $0x80, $0x38;
	[tilespmem:$0x1600] =	vst v63  }
0x4d: {  	s17 =	sand.u32 $0x1FFFFFF0, s23  }
0x4e: {  	s24 =	rddreg [dreg:$0x9];
	s17 =	sadd.s32 s2, s17  }
0x4f: {  	[tilespmem:s24], [sflag:$0x1] =	stream.linear.gather [hbm4b:s17+s1], $0x80, $0x38;
	[tilespmem:$0x1600] =	vst v63  }
0x50: {  	s17 =	sand.u32 $0x1FFFFFF0, s25  }
0x51: {  	s26 =	rddreg [dreg:$0xa];
	s17 =	sadd.s32 s3, s17;
	s19 =	spop (v2sf);
	(v2sf) =	vpush v1, $0x6  }
0x52: {  	[tilespmem:s26], [sflag:$0x2] =	stream.linear.gather [hbm4b:s17+s1], $0x80, $0x38;
	[tilespmem:$0x1600] =	vst v63  }
0x53: {  	s21 =	spop (v2sf);
	(v2sf) =	vpush v52, $0x6  }
0x54: {  	s17 =	sand.u32 $0x1FFFFFF0, s28  }
0x55: {  	s29 =	rddreg [dreg:$0xb];
	s17 =	sadd.s32 s2, s17;
	s23 =	spop (v2sf);
	(v2sf) =	vpush v1, $0x7  }
0x56: {  	[tilespmem:s29], [sflag:$0x1] =	stream.linear.gather [hbm4b:s17+s1], $0x80, $0x38;
	[tilespmem:$0x1600] =	vst v63  }
0x57: {  	s17 =	sand.u32 $0x1FFFFFF0, s30  }
0x58: {  	s31 =	rddreg [dreg:$0xc];
	s17 =	sadd.s32 s3, s17;
	s25 =	spop (v2sf);
	(v2sf) =	vpush v52, $0x7  }
0x59: {  	[tilespmem:s31], [sflag:$0x2] =	stream.linear.gather [hbm4b:s17+s1], $0x80, $0x38;
	[tilespmem:$0x1600] =	vst v63  }
0x5a: {  	s17 =	sand.u32 $0x1FFFFFF0, s19  }
0x5b: {  	s20 =	rddreg [dreg:$0xd];
	s17 =	sadd.s32 s2, s17  }
0x5c: {  	[tilespmem:s20], [sflag:$0x1] =	stream.linear.gather [hbm4b:s17+s1], $0x80, $0x38;
	[tilespmem:$0x1600] =	vst v63  }
0x5d: {  	s17 =	sand.u32 $0x1FFFFFF0, s21  }
0x5e: {  	s22 =	rddreg [dreg:$0xe];
	s17 =	sadd.s32 s3, s17  }
0x5f: {  	[tilespmem:s22], [sflag:$0x2] =	stream.linear.gather [hbm4b:s17+s1], $0x80, $0x38;
	[tilespmem:$0x1600] =	vst v63  }
0x60: {  	s28 =	spop (v2sf);
	(v2sf) =	vpush v1, $0x8  }
0x61: {  	s17 =	sand.u32 $0x1FFFFFF0, s23  }
0x62: {  	s24 =	rddreg [dreg:$0xf];
	s17 =	sadd.s32 s2, s17;
	s30 =	spop (v2sf);
	(v2sf) =	vpush v52, $0x8  }
0x63: {  	[tilespmem:s24], [sflag:$0x1] =	stream.linear.gather [hbm4b:s17+s1], $0x80, $0x38;
	[tilespmem:$0x1600] =	vst v63  }
0x64: {  	s17 =	sand.u32 $0x1FFFFFF0, s25;
	s19 =	spop (v2sf);
	(v2sf) =	vpush v1, $0x9  }
0x65: {  	s26 =	rddreg [dreg:$0x10];
	s17 =	sadd.s32 s3, s17  }
0x66: {  	[tilespmem:s26], [sflag:$0x2] =	stream.linear.gather [hbm4b:s17+s1], $0x80, $0x38;
	[tilespmem:$0x1600] =	vst v63  }
0x67: {  	s21 =	spop (v2sf);
	(v2sf) =	vpush v52, $0x9  }
0x68: {  	s17 =	sand.u32 $0x1FFFFFF0, s28  }
0x69: {  	s29 =	rddreg [dreg:$0x11];
	s17 =	sadd.s32 s2, s17  }
0x6a: {  	[tilespmem:s29], [sflag:$0x1] =	stream.linear.gather [hbm4b:s17+s1], $0x80, $0x38;
	[tilespmem:$0x1600] =	vst v63  }
0x6b: {  	s17 =	sand.u32 $0x1FFFFFF0, s30  }
0x6c: {  	s31 =	rddreg [dreg:$0x12];
	s17 =	sadd.s32 s3, s17  }
0x6d: {  	[tilespmem:s31], [sflag:$0x2] =	stream.linear.gather [hbm4b:s17+s1], $0x80, $0x38;
	[tilespmem:$0x1600] =	vst v63  }
0x6e: {  	s17 =	sand.u32 $0x1FFFFFF0, s19  }
0x6f: {  	s20 =	rddreg [dreg:$0x13];
	s17 =	sadd.s32 s2, s17;
	s23 =	spop (v2sf);
	(v2sf) =	vpush v1, $0xA  }
0x70: {  	[tilespmem:s20], [sflag:$0x1] =	stream.linear.gather [hbm4b:s17+s1], $0x80, $0x38;
	[tilespmem:$0x1600] =	vst v63  }
0x71: {  	s25 =	spop (v2sf);
	(v2sf) =	vpush v52, $0xA  }
0x72: {  	s17 =	sand.u32 $0x1FFFFFF0, s21  }
0x73: {  	s22 =	rddreg [dreg:$0x14];
	s17 =	sadd.s32 s3, s17;
	s28 =	spop (v2sf);
	(v2sf) =	vpush v1, $0xB  }
0x74: {  	[tilespmem:s22], [sflag:$0x2] =	stream.linear.gather [hbm4b:s17+s1], $0x80, $0x38;
	[tilespmem:$0x1600] =	vst v63  }
0x75: {  	s17 =	sand.u32 $0x1FFFFFF0, s23  }
0x76: {  	s24 =	rddreg [dreg:$0x15];
	s17 =	sadd.s32 s2, s17;
	s30 =	spop (v2sf);
	(v2sf) =	vpush v52, $0xB  }
0x77: {  	[tilespmem:s24], [sflag:$0x1] =	stream.linear.gather [hbm4b:s17+s1], $0x80, $0x38;
	[tilespmem:$0x1600] =	vst v63  }
0x78: {  	s17 =	sand.u32 $0x1FFFFFF0, s25  }
0x79: {  	s26 =	rddreg [dreg:$0x16];
	s17 =	sadd.s32 s3, s17  }
0x7a: {  	[tilespmem:s26], [sflag:$0x2] =	stream.linear.gather [hbm4b:s17+s1], $0x80, $0x38;
	[tilespmem:$0x1600] =	vst v63  }
0x7b: {  	s17 =	sand.u32 $0x1FFFFFF0, s28  }
0x7c: {  	s29 =	rddreg [dreg:$0x17];
	s17 =	sadd.s32 s2, s17  }
0x7d: {  	[tilespmem:s29], [sflag:$0x1] =	stream.linear.gather [hbm4b:s17+s1], $0x80, $0x38;
	[tilespmem:$0x1600] =	vst v63  }
0x7e: {  	s19 =	spop (v2sf);
	(v2sf) =	vpush v1, $0xC  }
0x7f: {  	s17 =	sand.u32 $0x1FFFFFF0, s30  }
0x80: {  	s31 =	rddreg [dreg:$0x18];
	s17 =	sadd.s32 s3, s17;
	s21 =	spop (v2sf);
	(v2sf) =	vpush v52, $0xC  }
0x81: {  	[tilespmem:s31], [sflag:$0x2] =	stream.linear.gather [hbm4b:s17+s1], $0x80, $0x38;
	[tilespmem:$0x1600] =	vst v63  }
0x82: {  	s17 =	sand.u32 $0x1FFFFFF0, s19;
	s23 =	spop (v2sf);
	(v2sf) =	vpush v1, $0xD  }
0x83: {  	s20 =	rddreg [dreg:$0x19];
	s17 =	sadd.s32 s2, s17  }
0x84: {  	[tilespmem:s20], [sflag:$0x1] =	stream.linear.gather [hbm4b:s17+s1], $0x80, $0x38;
	[tilespmem:$0x1600] =	vst v63  }
0x85: {  	s25 =	spop (v2sf);
	(v2sf) =	vpush v52, $0xD  }
0x86: {  	s17 =	sand.u32 $0x1FFFFFF0, s21  }
0x87: {  	s22 =	rddreg [dreg:$0x1a];
	s17 =	sadd.s32 s3, s17  }
0x88: {  	[tilespmem:s22], [sflag:$0x2] =	stream.linear.gather [hbm4b:s17+s1], $0x80, $0x38;
	[tilespmem:$0x1600] =	vst v63  }
0x89: {  	s17 =	sand.u32 $0x1FFFFFF0, s23  }
0x8a: {  	s24 =	rddreg [dreg:$0x1b];
	s17 =	sadd.s32 s2, s17  }
0x8b: {  	[tilespmem:s24], [sflag:$0x1] =	stream.linear.gather [hbm4b:s17+s1], $0x80, $0x38;
	[tilespmem:$0x1600] =	vst v63  }
0x8c: {  	s17 =	sand.u32 $0x1FFFFFF0, s25  }
0x8d: {  	s26 =	rddreg [dreg:$0x1c];
	s17 =	sadd.s32 s3, s17;
	s28 =	spop (v2sf);
	(v2sf) =	vpush v1, $0xE  }
0x8e: {  	[tilespmem:s26], [sflag:$0x2] =	stream.linear.gather [hbm4b:s17+s1], $0x80, $0x38;
	[tilespmem:$0x1600] =	vst v63  }
0x8f: {  	s30 =	spop (v2sf);
	(v2sf) =	vpush v52, $0xE  }
0x90: {  	s17 =	sand.u32 $0x1FFFFFF0, s28  }
0x91: {  	s29 =	rddreg [dreg:$0x1d];
	s17 =	sadd.s32 s2, s17;
	s19 =	spop (v2sf)  }
0x92: {  	(v2sf) =	vpush v1, $0xF;
	[tilespmem:s29], [sflag:$0x1] =	stream.linear.gather [hbm4b:s17+s1], $0x80, $0x38;
	[tilespmem:$0x1600] =	vst v63  }
0x93: {  	s17 =	sand.u32 $0x1FFFFFF0, s30  }
0x94: {  	s31 =	rddreg [dreg:$0x1e];
	s21 =	spop (v2sf);
	s17 =	sadd.s32 s3, s17  }
0x95: {  	(v2sf) =	vpush v52, $0xF;
	[tilespmem:s31], [sflag:$0x2] =	stream.linear.gather [hbm4b:s17+s1], $0x80, $0x38;
	[tilespmem:$0x1600] =	vst v63  }
0x96: {  	s20 =	rddreg [dreg:$0x1f];
	s17 =	sand.u32 $0x1FFFFFF0, s19  }
0x97: {  	s22 =	sld [smem:$0x7F9];
	s17 =	sadd.s32 s2, s17  }
0x98: {  	[tilespmem:s20], [sflag:$0x1] =	stream.linear.gather [hbm4b:s17+s1], $0x80, $0x38;
	[tilespmem:$0x1600] =	vst v63  }
0x99: {  	s17 =	sand.u32 $0x1FFFFFF0, s21  }
0x9a: {  	s17 =	sadd.s32 s3, s17  }
0x9b: {  	[tilespmem:s22], [sflag:$0x2] =	stream.linear.gather [hbm4b:s17+s1], $0x80, $0x38;
	[tilespmem:$0x1600] =	vst v63  }
0x9c: {  	s24 =	sld [smem:$0x7FA];
	s23 =	spop (v2sf)  }
0x9d: {  	s17 =	sand.u32 $0x1FFFFFF0, s23  }
0x9e: {  	s26 =	sld [smem:$0x7FB];
	s25 =	spop (v2sf);
	s17 =	sadd.s32 s2, s17  }
0x9f: {  	[tilespmem:s24], [sflag:$0x1] =	stream.linear.gather [hbm4b:s17+s1], $0x80, $0x38;
	[tilespmem:$0x1600] =	vst v63  }
0xa0: {  	s17 =	sand.u32 $0x1FFFFFF0, s25  }
0xa1: {  	s29 =	sld [smem:$0x7FC];
	s28 =	spop (v2sf);
	s17 =	sadd.s32 s3, s17  }
0xa2: {  	[tilespmem:s26], [sflag:$0x2] =	stream.linear.gather [hbm4b:s17+s1], $0x80, $0x38;
	[tilespmem:$0x1600] =	vst v63  }
0xa3: {  	s17 =	sand.u32 $0x1FFFFFF0, s28  }
0xa4: {  	s31 =	sld [smem:$0x7FD];
	s30 =	spop (v2sf);
	s17 =	sadd.s32 s2, s17  }
0xa5: {  	[tilespmem:s29], [sflag:$0x1] =	stream.linear.gather [hbm4b:s17+s1], $0x80, $0x38;
	[tilespmem:$0x1600] =	vst v63  }
0xa6: {  	s17 =	sand.u32 $0x1FFFFFF0, s30  }
0xa7: {  	s17 =	sadd.s32 s3, s17  }
0xa8: {  	[tilespmem:s31], [sflag:$0x2] =	stream.linear.gather [hbm4b:s17+s1], $0x80, $0x38;
	[tilespmem:$0x1600] =	vst v63  }
0xa9: {  	_ =	swait.ge [sflag:s11], $0x80  }
0xaa: {  	[sflag:s11] =	ssyncset.done $0x0  }
0xab: {  	[sflag:s11] =	ssyncadd.s32 $0xFFFFFF80  }
0xac: {  	_ =	swait.ge [sflag:s12], $0x80  }
0xad: {  	[sflag:s12] =	ssyncset.done $0x0  }
0xae: {  	[sflag:s12] =	ssyncadd.s32 $0xFFFFFF80  }
0xaf: {  	_ =	swait.ge [sflag:s11], $0x80  }
0xb0: {  	[sflag:s11] =	ssyncset.done $0x0  }
0xb1: {  	[sflag:s11] =	ssyncadd.s32 $0xFFFFFF80  }
0xb2: {  	_ =	swait.ge [sflag:s12], $0x80  }
0xb3: {  	[sflag:s12] =	ssyncset.done $0x0  }
0xb4: {  	[sflag:s12] =	ssyncadd.s32 $0xFFFFFF80  }
0xb5: {  	_ =	swait.ge [sflag:s11], $0x80  }
0xb6: {  	[sflag:s11] =	ssyncset.done $0x0  }
0xb7: {  	[sflag:s11] =	ssyncadd.s32 $0xFFFFFF80  }
0xb8: {  	_ =	swait.ge [sflag:s12], $0x80  }
0xb9: {  	[sflag:s12] =	ssyncset.done $0x0  }
0xba: {  	[sflag:s12] =	ssyncadd.s32 $0xFFFFFF80  }
0xbb: {  	_ =	swait.ge [sflag:s11], $0x80  }
0xbc: {  	[sflag:s11] =	ssyncset.done $0x0  }
0xbd: {  	[sflag:s11] =	ssyncadd.s32 $0xFFFFFF80  }
0xbe: {  	_ =	swait.ge [sflag:s12], $0x80  }
0xbf: {  	[sflag:s12] =	ssyncset.done $0x0  }
0xc0: {  	[sflag:s12] =	ssyncadd.s32 $0xFFFFFF80  }
0xc1: {  	_ =	swait.ge [sflag:s11], $0x80  }
0xc2: {  	[sflag:s11] =	ssyncset.done $0x0  }
0xc3: {  	[sflag:s11] =	ssyncadd.s32 $0xFFFFFF80  }
0xc4: {  	_ =	swait.ge [sflag:s12], $0x80  }
0xc5: {  	[sflag:s12] =	ssyncset.done $0x0  }
0xc6: {  	[sflag:s12] =	ssyncadd.s32 $0xFFFFFF80  }
0xc7: {  	_ =	swait.ge [sflag:s11], $0x80  }
0xc8: {  	[sflag:s11] =	ssyncset.done $0x0  }
0xc9: {  	[sflag:s11] =	ssyncadd.s32 $0xFFFFFF80  }
0xca: {  	_ =	swait.ge [sflag:s12], $0x80  }
0xcb: {  	[sflag:s12] =	ssyncset.done $0x0  }
0xcc: {  	[sflag:s12] =	ssyncadd.s32 $0xFFFFFF80  }
0xcd: {  	_ =	swait.ge [sflag:s11], $0x80  }
0xce: {  	[sflag:s11] =	ssyncset.done $0x0  }
0xcf: {  	[sflag:s11] =	ssyncadd.s32 $0xFFFFFF80  }
0xd0: {  	_ =	swait.ge [sflag:s12], $0x80  }
0xd1: {  	[sflag:s12] =	ssyncset.done $0x0  }
0xd2: {  	[sflag:s12] =	ssyncadd.s32 $0xFFFFFF80  }
0xd3: {  	_ =	swait.ge [sflag:s11], $0x80  }
0xd4: {  	[sflag:s11] =	ssyncset.done $0x0  }
0xd5: {  	[sflag:s11] =	ssyncadd.s32 $0xFFFFFF80  }
0xd6: {  	_ =	swait.ge [sflag:s12], $0x80  }
0xd7: {  	[sflag:s12] =	ssyncset.done $0x0  }
0xd8: {  	[sflag:s12] =	ssyncadd.s32 $0xFFFFFF80  }
0xd9: {  	_ =	swait.ge [sflag:s11], $0x80  }
0xda: {  	[sflag:s11] =	ssyncset.done $0x0  }
0xdb: {  	[sflag:s11] =	ssyncadd.s32 $0xFFFFFF80  }
0xdc: {  	_ =	swait.ge [sflag:s12], $0x80  }
0xdd: {  	[sflag:s12] =	ssyncset.done $0x0  }
0xde: {  	[sflag:s12] =	ssyncadd.s32 $0xFFFFFF80  }
0xdf: {  	_ =	swait.ge [sflag:s11], $0x80  }
0xe0: {  	[sflag:s11] =	ssyncset.done $0x0  }
0xe1: {  	[sflag:s11] =	ssyncadd.s32 $0xFFFFFF80  }
0xe2: {  	_ =	swait.ge [sflag:s12], $0x80  }
0xe3: {  	[sflag:s12] =	ssyncset.done $0x0  }
0xe4: {  	[sflag:s12] =	ssyncadd.s32 $0xFFFFFF80  }
0xe5: {  	_ =	swait.ge [sflag:s11], $0x80  }
0xe6: {  	[sflag:s11] =	ssyncset.done $0x0  }
0xe7: {  	[sflag:s11] =	ssyncadd.s32 $0xFFFFFF80  }
0xe8: {  	_ =	swait.ge [sflag:s12], $0x80  }
0xe9: {  	[sflag:s12] =	ssyncset.done $0x0  }
0xea: {  	[sflag:s12] =	ssyncadd.s32 $0xFFFFFF80  }
0xeb: {  	_ =	swait.ge [sflag:s11], $0x80  }
0xec: {  	[sflag:s11] =	ssyncset.done $0x0  }
0xed: {  	[sflag:s11] =	ssyncadd.s32 $0xFFFFFF80  }
0xee: {  	_ =	swait.ge [sflag:s12], $0x80  }
0xef: {  	[sflag:s12] =	ssyncset.done $0x0  }
0xf0: {  	[sflag:s12] =	ssyncadd.s32 $0xFFFFFF80  }
0xf1: {  	_ =	swait.ge [sflag:s11], $0x80  }
0xf2: {  	[sflag:s11] =	ssyncset.done $0x0  }
0xf3: {  	[sflag:s11] =	ssyncadd.s32 $0xFFFFFF80  }
0xf4: {  	_ =	swait.ge [sflag:s12], $0x80  }
0xf5: {  	[sflag:s12] =	ssyncset.done $0x0  }
0xf6: {  	[sflag:s12] =	ssyncadd.s32 $0xFFFFFF80  }
0xf7: {  	_ =	swait.ge [sflag:s11], $0x80  }
0xf8: {  	[sflag:s11] =	ssyncset.done $0x0  }
0xf9: {  	[sflag:s11] =	ssyncadd.s32 $0xFFFFFF80  }
0xfa: {  	_ =	swait.ge [sflag:s12], $0x80  }
0xfb: {  	[sflag:s12] =	ssyncset.done $0x0  }
0xfc: {  	[sflag:s12] =	ssyncadd.s32 $0xFFFFFF80  }
0xfd: {  	_ =	swait.ge [sflag:s11], $0x80  }
0xfe: {  	[sflag:s11] =	ssyncset.done $0x0  }
0xff: {  	[sflag:s11] =	ssyncadd.s32 $0xFFFFFF80  }
0x100: {  	_ =	swait.ge [sflag:s12], $0x80  }
0x101: {  	[sflag:s12] =	ssyncset.done $0x0  }
0x102: {  	[sflag:s12] =	ssyncadd.s32 $0xFFFFFF80  }
0x103: {  	_ =	swait.ge [sflag:s11], $0x80  }
0x104: {  	[sflag:s11] =	ssyncset.done $0x0  }
0x105: {  	[sflag:s11] =	ssyncadd.s32 $0xFFFFFF80  }
0x106: {  	_ =	swait.ge [sflag:s12], $0x80  }
0x107: {  	[sflag:s12] =	ssyncset.done $0x0  }
0x108: {  	[sflag:s12] =	ssyncadd.s32 $0xFFFFFF80  }
0x109: {  	v0 =	vld [tilespmem:$0x400]  }
0x10a: {  	v1 =	vld [tilespmem:$0xC00]  }
0x10b: {  	v2 =	vld [tilespmem:$0x410]  }
0x10c: {  	v3 =	vld [tilespmem:$0xC10]  }
0x10d: {  	v4 =	vld [tilespmem:$0x420]  }
0x10e: {  	v5 =	vld [tilespmem:$0xC20]  }
0x10f: {  	v6 =	vld [tilespmem:$0x430]  }
0x110: {  	v62 =	vld [tilespmem:$0xC30]  }
0x111: {  	v8 =	vld [tilespmem:$0x480]  }
0x112: {  	v9 =	vld [tilespmem:$0xC80]  }
0x113: {  	v10 =	vld [tilespmem:$0x490]  }
0x114: {  	v11 =	vld [tilespmem:$0xC90]  }
0x115: {  	v22 =	vld [tilespmem:$0x4A0]  }
0x116: {  	v13 =	vld [tilespmem:$0xCA0]  }
0x117: {  	v23 =	vld [tilespmem:$0x4B0]  }
0x118: {  	v15 =	vld [tilespmem:$0xCB0]  }
0x119: {  	v16 =	vld [tilespmem:$0x500]  }
0x11a: {  	v17 =	vld [tilespmem:$0xD00]  }
0x11b: {  	v18 =	vld [tilespmem:$0x510]  }
0x11c: {  	v19 =	vld [tilespmem:$0xD10]  }
0x11d: {  	v20 =	vld [tilespmem:$0x520]  }
0x11e: {  	v21 =	vld [tilespmem:$0xD20]  }
0x11f: {  	v38 =	vld [tilespmem:$0x530]  }
0x120: {  	v30 =	vld [tilespmem:$0xD30]  }
0x121: {  	v24 =	vld [tilespmem:$0x580]  }
0x122: {  	v25 =	vld [tilespmem:$0xD80]  }
0x123: {  	v26 =	vld [tilespmem:$0x590]  }
0x124: {  	v27 =	vld [tilespmem:$0xD90]  }
0x125: {  	v28 =	vld [tilespmem:$0x5A0]  }
0x126: {  	v29 =	vld [tilespmem:$0xDA0]  }
0x127: {  	v53 =	vld [tilespmem:$0x5B0]  }
0x128: {  	v54 =	vld [tilespmem:$0xDB0]  }
0x129: {  	v32 =	vld [tilespmem:$0x600]  }
0x12a: {  	v33 =	vld [tilespmem:$0xE00]  }
0x12b: {  	v34 =	vld [tilespmem:$0x610]  }
0x12c: {  	v35 =	vld [tilespmem:$0xE10]  }
0x12d: {  	v55 =	vld [tilespmem:$0x620]  }
0x12e: {  	v52 =	vld [tilespmem:$0xE20]  }
0x12f: {  	v56 =	vld [tilespmem:$0x630]  }
0x130: {  	v60 =	vld [tilespmem:$0xE30]  }
0x131: {  	v40 =	vld [tilespmem:$0x680]  }
0x132: {  	v41 =	vld [tilespmem:$0xE80]  }
0x133: {  	v42 =	vld [tilespmem:$0x690]  }
0x134: {  	v43 =	vld [tilespmem:$0xE90]  }
0x135: {  	v44 =	vld [tilespmem:$0x6A0]  }
0x136: {  	v45 =	vld [tilespmem:$0xEA0]  }
0x137: {  	v57 =	vld [tilespmem:$0x6B0]  }
0x138: {  	v58 =	vld [tilespmem:$0xEB0]  }
0x139: {  	v48 =	vld [tilespmem:$0x700]  }
0x13a: {  	v49 =	vld [tilespmem:$0xF00]  }
0x13b: {  	v50 =	vld [tilespmem:$0x710]  }
0x13c: {  	v51 =	vld [tilespmem:$0xF10]  }
0x13d: {  	v59 =	vld [tilespmem:$0x720]  }
0x13e: {  	v61 =	vld [tilespmem:$0x730]  }
0x13f: {  	v63 =	vld [tilespmem:$0xF30]  }
0x140: {  	v12 =	vld [tilespmem:$0x7A0]  }
0x141: {  	v14 =	vld [tilespmem:$0xFA0]  }
0x142: {  	v31 =	vld [tilespmem:$0x7B0]  }
0x143: {  	v36 =	vld [tilespmem:$0xFB0]  }
0x144: {  	v7 =	vld [tilespmem:$0x810]  }
0x145: {  	v37 =	vld [tilespmem:$0x830]  }
0x146: {  	v39 =	vld [tilespmem:$0x1030]  }
0x147: {  	v47 =	vld [tilespmem:$0x1080]  }
0x148: {  	v46 =	vld [tilespmem:$0x10A0]  }
0x149: {  	[tilespmem:$0x1FE30] =	vst v53;
	v53 =	vld [tilespmem:$0xF20]  }
0x14a: {  	[tilespmem:$0x1FE60] =	vst v56;
	v56 =	vld [tilespmem:$0x780]  }
0x14b: {  	[tilespmem:$0x1FE70] =	vst v57;
	v57 =	vld [tilespmem:$0xF80]  }
0x14c: {  	[tilespmem:$0x1FE80] =	vst v58;
	v58 =	vld [tilespmem:$0x790]  }
0x14d: {  	[tilespmem:$0x1FE90] =	vst v59;
	v59 =	vld [tilespmem:$0xF90]  }
0x14e: {  	[tilespmem:$0x1FED0] =	vst v14;
	v14 =	vld [tilespmem:$0x800]  }
0x14f: {  	[tilespmem:$0x1FEC0] =	vst v12;
	v12 =	vld [tilespmem:$0x1000]  }
0x150: {  	[tilespmem:$0x1FE20] =	vst v6;
	v6 =	vld [tilespmem:$0x1010]  }
0x151: {  	[tilespmem:$0x1FEE0] =	vst v31;
	v31 =	vld [tilespmem:$0x820]  }
0x152: {  	[tilespmem:$0x1FE40] =	vst v54;
	v54 =	vld [tilespmem:$0x1020]  }
0x153: {  	[tilespmem:$0x1FEA0] =	vst v61;
	v61 =	vld [tilespmem:$0x880]  }
0x154: {  	[tilespmem:$0x1FF10] =	vst v37;
	v37 =	vld [tilespmem:$0x890]  }
0x155: {  	[tilespmem:$0x1FEF0] =	vst v36;
	v36 =	vld [tilespmem:$0x8A0]  }
0x156: {  	[tilespmem:$0x1FE50] =	vst v55;
	v55 =	vld [tilespmem:$0x8B0]  }
0x157: {  	[tilespmem:$0x1FEB0] =	vst v63;
	v63 =	vld [tilespmem:$0x10B0]  }
0x158: {  	[tilespmem:$0x1FF40] =	vst v46;
	v46 =	vld [tilespmem:$0x900]  }
0x159: {  	[tilespmem:$0x1FF20] =	vst v39;
	v39 =	vld [tilespmem:$0x1180]  }
0x15a: {  	v0 =	vmul.f32 v1, v0;
	v22 =	vmul.f32 v13, v22;
	v13 =	vld [tilespmem:$0xA10]  }
0x15b: {  	v1 =	vmul.f32 v17, v16;
	v15 =	vmul.f32 v15, v23;
	v17 =	vld [tilespmem:$0x1210]  }
0x15c: {  	v23 =	vmul.f32 v21, v20;
	v26 =	vmul.f32 v27, v26;
	v21 =	vld [tilespmem:$0x1230]  }
0x15d: {  	v27 =	vmul.f32 v30, v38;
	v30 =	vmul.f32 v29, v28;
	v29 =	vld [tilespmem:$0x1290]  }
0x15e: {  	v28 =	vld [tilespmem:$0x12A0]  }
0x15f: {  	v38 =	vmul.f32 v41, v40;
	v41 =	vld [tilespmem:$0x1FE30]  }
0x160: {  	v40 =	vmul.f32 v43, v42;
	v42 =	vld [tilespmem:$0x1FE40]  }
0x161: {  	v43 =	vld [tilespmem:$0x1FE50]  }
0x162: {  	v35 =	vmul.f32 v35, v34;
	v34 =	vld [tilespmem:$0x1FE70]  }
0x163: {  	v33 =	vmul.f32 v33, v32;
	v32 =	vmul.f32 v49, v48;
	v48 =	vld [tilespmem:$0x1FEE0]  }
0x164: {  	v49 =	vld [tilespmem:$0x1FEF0]  }
0x165: {  	[tilespmem:$0x1FF00] =	vst v31;
	v31 =	vld [tilespmem:$0x1090]  }
0x166: {  	[tilespmem:$0x1FF90] =	vst v55;
	v55 =	vld [tilespmem:$0x1100]  }
0x167: {  	[tilespmem:$0x1FFA0] =	vst v63;
	v63 =	vld [tilespmem:$0x910]  }
0x168: {  	[tilespmem:$0x1FF50] =	vst v46;
	v46 =	vld [tilespmem:$0x1110]  }
0x169: {  	[tilespmem:$0x1FF30] =	vst v36;
	v36 =	vld [tilespmem:$0x1190]  }
0x16a: {  	v6 =	vmul.f32 v6, v7;
	v7 =	vld [tilespmem:$0x12B0]  }
0x16b: {  	v25 =	vmul.f32 v25, v24;
	v24 =	vmul.f32 v42, v41;
	v42 =	vld [tilespmem:$0x1FEA0]  }
0x16c: {  	[tilespmem:$0x1FF60] =	vst v55;
	v55 =	vld [tilespmem:$0x920]  }
0x16d: {  	[tilespmem:$0x1FF70] =	vst v63;
	v63 =	vld [tilespmem:$0x1120]  }
0x16e: {  	v20 =	vmul.f32 v52, v43;
	v43 =	vld [tilespmem:$0x1FEB0]  }
0x16f: {  	[tilespmem:$0x1FF80] =	vst v46;
	v46 =	vld [tilespmem:$0x930]  }
0x170: {  	v52 =	vld [tilespmem:$0x1FF10]  }
0x171: {  	[tilespmem:$0x1FFB0] =	vst v55;
	v55 =	vld [tilespmem:$0x1130]  }
0x172: {  	[tilespmem:$0x1FFC0] =	vst v63;
	v63 =	vld [tilespmem:$0x9A0]  }
0x173: {  	v41 =	vmul.f32 v59, v58;
	v58 =	vld [tilespmem:$0x1FF60]  }
0x174: {  	[tilespmem:$0x1FFD0] =	vst v46;
	v46 =	vld [tilespmem:$0x990]  }
0x175: {  	v59 =	vld [tilespmem:$0x1FF70]  }
0x176: {  	[tilespmem:$0x1FFE0] =	vst v55;
	v55 =	vld [tilespmem:$0x980]  }
0x177: {  	[tilespmem:$0x1FFF0] =	vst v63;
	v63 =	vmul.f32 v3, v2;
	v2 =	vld [tilespmem:$0x11A0]  }
0x178: {  	v3 =	vld [tilespmem:$0x9B0]  }
0x179: {  	v36 =	vmul.f32 v36, v46;
	v46 =	vld [tilespmem:$0x1330]  }
0x17a: {  	v0 =	vadd.f32 v63, v0;
	v63 =	vmul.f32 v5, v4;
	v4 =	vld [tilespmem:$0x11B0]  }
0x17b: {  	v5 =	vmul.f32 v9, v8;
	v9 =	vld [tilespmem:$0xA00]  }
0x17c: {  	v8 =	vmul.f32 v11, v10;
	v11 =	vld [tilespmem:$0x1200]  }
0x17d: {  	v10 =	vmul.f32 v19, v18;
	v19 =	vld [tilespmem:$0xA20]  }
0x17e: {  	v18 =	vld [tilespmem:$0xA30]  }
0x17f: {  	v0 =	vadd.f32 v63, v0;
	v63 =	vld [tilespmem:$0x1FE20]  }
0x180: {  	v5 =	vadd.f32 v8, v5;
	v8 =	vadd.f32 v26, v25;
	v25 =	vld [tilespmem:$0x1280]  }
0x181: {  	v1 =	vadd.f32 v10, v1;
	v10 =	vadd.f32 v35, v33;
	v35 =	vld [tilespmem:$0x1FE80]  }
0x182: {  	v33 =	vmul.f32 v51, v50;
	v50 =	vld [tilespmem:$0x1FF00]  }
0x183: {  	v51 =	vmul.f32 v47, v61;
	v47 =	vld [tilespmem:$0x1FFD0]  }
0x184: {  	v61 =	vmul.f32 v39, v55;
	v39 =	vld [tilespmem:$0xB30]  }
0x185: {  	v1 =	vadd.f32 v23, v1;
	v23 =	vld [tilespmem:$0xA80]  }
0x186: {  	v10 =	vadd.f32 v20, v10;
	v20 =	vadd.f32 v33, v32;
	v32 =	vld [tilespmem:$0xAB0]  }
0x187: {  	v8 =	vadd.f32 v30, v8;
	v30 =	vld [tilespmem:$0xB00]  }
0x188: {  	v33 =	vmul.f32 v49, v48;
	v48 =	vld [tilespmem:$0x1FFE0]  }
0x189: {  	v49 =	vld [tilespmem:$0x1FFF0]  }
0x18a: {  	v5 =	vadd.f32 v22, v5;
	v1 =	vadd.f32 v27, v1;
	v27 =	vld [tilespmem:$0xA90]  }
0x18b: {  	v8 =	vadd.f32 v24, v8;
	v24 =	vld [tilespmem:$0xAA0]  }
0x18c: {  	v5 =	vadd.f32 v15, v5;
	v15 =	vadd.f32 v40, v38;
	v38 =	vld [tilespmem:$0x1FE90]  }
0x18d: {  	v40 =	vmul.f32 v57, v56;
	v56 =	vld [tilespmem:$0x1FF40]  }
0x18e: {  	v57 =	vld [tilespmem:$0x1FF50]  }
0x18f: {  	v16 =	vmul.f32 v62, v63;
	v62 =	vld [tilespmem:$0x1FE60]  }
0x190: {  	v63 =	vmul.f32 v45, v44;
	v44 =	vld [tilespmem:$0x1FEC0]  }
0x191: {  	v45 =	vld [tilespmem:$0x1FED0]  }
0x192: {  	v12 =	vmul.f32 v12, v14;
	v22 =	vmul.f32 v35, v34;
	v34 =	vld [tilespmem:$0x1300]  }
0x193: {  	v35 =	vld [tilespmem:$0xB10]  }
0x194: {  	v6 =	vadd.f32 v6, v12;
	v12 =	vmul.f32 v54, v50;
	v54 =	vld [tilespmem:$0x1FF30]  }
0x195: {  	v15 =	vadd.f32 v63, v15;
	v63 =	vld [tilespmem:$0x1FFA0]  }
0x196: {  	v26 =	vmul.f32 v60, v62;
	v60 =	vld [tilespmem:$0x1FF80]  }
0x197: {  	v31 =	vmul.f32 v31, v37;
	v14 =	vmul.f32 v43, v42;
	v0 =	vadd.f32 v16, v0;
	v62 =	vld [tilespmem:$0x1FF90]  }
0x198: {  	v9 =	vmul.f32 v11, v9;
	v3 =	vmul.f32 v4, v3;
	v16 =	vld [tilespmem:$0x1220]  }
0x199: {  	v2 =	vmul.f32 v2, v49;
	(xrf2) =	vadd.scan.msk.f32 $0xffff, v0;
	v10 =	vadd.f32 v26, v10;
	v26 =	vmul.f32 v53, v38;
	v53 =	vld [tilespmem:$0x1FF20]  }
0x19a: {  	v50 =	vld [tilespmem:$0xB80];
	v15 =	vadd.f32 v22, v15;
	v22 =	vadd.f32 v41, v40;
	(xrf2) =	vadd.scan.msk.f32 $0xffff, v5;
	v5 =	vmul.f32 v48, v47  }
0x19b: {  	v38 =	vld [tilespmem:$0x1320];
	v20 =	vadd.f32 v26, v20;
	v26 =	vmul.f32 v45, v44;
	v37 =	vmul.f32 v60, v59  }
0x19c: {  	v6 =	vadd.f32 v12, v6;
	v44 =	vld [tilespmem:$0x1FFB0];
	v0 =	vmul.f32 v63, v62;
	v59 =	vmul.f32 v29, v27  }
0x19d: {  	v45 =	vld [tilespmem:$0x1FFC0];
	v22 =	vadd.f32 v26, v22;
	v26 =	vadd.f32 v31, v51;
	v31 =	vmul.f32 v56, v54  }
0x19e: {  	v14 =	vadd.f32 v14, v20;
	v20 =	vld [tilespmem:$0x1310];
	v56 =	vmul.f32 v16, v19;
	v12 =	vmul.f32 v53, v52  }
0x19f: {  	v54 =	vld [tilespmem:$0xB90];
	v52 =	vmul.f32 v17, v13;
	v22 =	vadd.f32 v33, v22;
	v26 =	vadd.f32 v31, v26  }
0x1a0: {  	(xrf2) =	vadd.scan.msk.f32 $0xffff, v1;
	v53 =	vld [tilespmem:$0x1380];
	v31 =	vadd.f32 v36, v61;
	v6 =	vadd.f32 v12, v6;
	v12 =	vmul.f32 v58, v57  }
0x1a1: {  	(xrf2) =	vadd.scan.msk.f32 $0xffff, v8;
	v33 =	vld [tilespmem:$0xB20];
	v61 =	vmul.f32 v34, v30;
	v55 =	vadd.f32 v52, v9;
	v58 =	vmul.f32 v25, v23  }
0x1a2: {  	(xrf2) =	vadd.scan.msk.f32 $0xffff, v10;
	v57 =	vld [tilespmem:$0x1390];
	v2 =	vadd.f32 v2, v31;
	v12 =	vadd.f32 v37, v12;
	v37 =	vmul.f32 v45, v44  }
0x1a3: {  	(xrf2) =	vadd.scan.msk.f32 $0xffff, v15;
	v60 =	vld [tilespmem:$0xBA0];
	v23 =	vmul.f32 v7, v32;
	v0 =	vadd.f32 v0, v26;
	v62 =	vmul.f32 v20, v35  }
0x1a4: {  	v63 =	vld [tilespmem:$0x13A0];
	(xrf2) =	vadd.scan.msk.f32 $0xffff, v14;
	v20 =	vmul.f32 v21, v18;
	v2 =	vadd.f32 v3, v2;
	v51 =	vadd.f32 v37, v12  }
0x1a5: {  	(xrf2) =	vadd.scan.msk.f32 $0xffff, v22;
	v22 =	vld [tilespmem:$0xBB0];
	v21 =	vmul.f32 v28, v24;
	v3 =	vadd.f32 v59, v58;
	v24 =	vadd.f32 v62, v61  }
0x1a6: {  	v26 =	vld [tilespmem:$0x13B0];
	(xrf2) =	vadd.scan.msk.f32 $0xffff, v6;
	v25 =	vmul.f32 v38, v33;
	v1 =	vadd.f32 v5, v51;
	v5 =	vadd.f32 v56, v55  }
0x1a7: {  	(xrf2) =	vadd.scan.msk.f32 $0xffff, v0;
	v28 =	vmul.f32 v53, v50;
	v27 =	vadd.f32 v21, v3;
	v4 =	vmul.f32 v57, v54  }
0x1a8: {  	v29, _, _ =	vpop (xrf2);
	v32 =	vmul.f32 v46, v39;
	v31 =	vadd.f32 v25, v24;
	(xrf2) =	vadd.scan.msk.f32 $0xffff, v1;
	v30 =	vadd.f32 v20, v5  }
0x1a9: {  	v35 =	vmul.f32 v63, v60;
	v33, _, _ =	vpop (xrf2);
	v0 =	vadd.f32 v23, v27;
	v34 =	vadd.f32 v4, v28;
	(xrf2) =	vadd.scan.msk.f32 $0xffff, v2  }
0x1aa: {  	v37 =	vbroadcast v29, $0xF;
	v36, _, _ =	vpop (xrf2);
	v38 =	vbroadcast v33, $0xF;
	v5 =	vadd.f32 v32, v31;
	(xrf2) =	vadd.scan.msk.f32 $0xffff, v30  }
0x1ab: {  	v39, _, _ =	vpop (xrf2);
	v41 =	vmul.f32 v26, v22;
	v42 =	vbroadcast v36, $0xF;
	v40 =	vadd.f32 v35, v34;
	(xrf2) =	vadd.scan.msk.f32 $0xffff, v0  }
0x1ac: {  	v43 =	vbroadcast v39, $0xF;
	v44, _, _ =	vpop (xrf2);
	v1 =	vsel vm0, v37, v38;
	(xrf2) =	vadd.scan.msk.f32 $0xffff, v5  }
0x1ad: {  	v45, _, _ =	vpop (xrf2);
	v46 =	vbroadcast v44, $0xF;
	v1 =	vsel vm1, v1, v42;
	v0 =	vadd.f32 v41, v40  }
0x1ae: {  	v47, _, _ =	vpop (xrf2);
	v48 =	vbroadcast v45, $0xF;
	v1 =	vsel vm2, v1, v43  }
0x1af: {  	v2 =	vbroadcast v47, $0xF;
	v1 =	vsel vm3, v1, v46;
	v49, _, _ =	vpop (xrf2);
	(xrf2) =	vadd.scan.msk.f32 $0xffff, v0  }
0x1b0: {  	v50, _, _ =	vpop (xrf2);
	v1 =	vsel vm4, v1, v48;
	v3 =	vbroadcast v49, $0xF  }
0x1b1: {  	v51, _, _ =	vpop (xrf2);
	v1 =	vsel vm5, v1, v2;
	v0 =	vbroadcast v50, $0xF  }
0x1b2: {  	v1 =	vsel vm6, v1, v3;
	v53 =	vbroadcast v51, $0xF;
	v52, _, _ =	vpop (xrf2)  }
0x1b3: {  	v0 =	vsel vm7, v1, v0;
	v54, _, _ =	vpop (xrf2);
	v55 =	vbroadcast v52, $0xF  }
0x1b4: {  	v0 =	vsel vm8, v0, v53;
	v56, _, _ =	vpop (xrf2);
	v57 =	vbroadcast v54, $0xF  }
0x1b5: {  	v58, _, _ =	vpop (xrf2);
	v0 =	vsel vm9, v0, v55;
	v59 =	vbroadcast v56, $0xF  }
0x1b6: {  	p0 =	sne.s32 s15, $0x7C0;
	v60, _, _ =	vpop (xrf2);
	v0 =	vsel vm10, v0, v57;
	v61 =	vbroadcast v58, $0xF  }
.Ltmp0:
0x1b7: {  	v0 =	vsel vm11, v0, v59;
	v62 =	vbroadcast v60, $0xF;
	(pc) =	sbr.rel @p0 .LBB2_2-.Ltmp0, $4  }
0x1b8: {  	v0 =	vsel vm12, v0, v61  }
0x1b9: {  	v63, _, _ =	vpop (xrf2);
	v0 =	vsel vm13, v0, v62  }
0x1ba: {  	v0 =	vsel vm14, v0, v63  }
0x1bb: {  	s15 =	sadd.s32 $0x40, s15;
	[tilespmem:s16+$0x1400] =	vst v0  }
0x1bc: {  	s14 =	sadd.s32 $0x1, s14  }
0x1bd: {  	p0 =	sne.s32 s14, s8  }
.Ltmp1:
0x1be: {  	_ = 	snop;
	(pc) =	sbr.rel @p0 .LBB2_1-.Ltmp1, $4  }
0x1bf: {  	[hbm4b:s7+s1] =	stream.linear.scatter [tilespmem:s13], [sflag:$0x3], $0x200, $0x38;
	[tilespmem:$0x1600] =	vst v63  }
0x1c0: {  	_ =	swait.ge [sflag:s9], $0x200  }
0x1c1: {  	[sflag:s9] =	ssyncset.done $0x0  }
0x1c2: {  	[sflag:s9] =	ssyncadd.s32 $0xFFFFFE00  }
0x1c3: {  	_ =	sfence.sel $0x180000  }
0x1c4: {  	[bflag:$0x0] =	sbarrier.arrive $0xFFFF  }
0x1c5: {  	p0 =	sne.s32 s4, $0x0;
	_ =	strace $0x90000047  }
0x1c6: {  	s0 =	sadd.s32 @!p0 $0x100000, s0;
	[bflag:$0x2] =	sbarrier.arrive $0xFFFF  }
0x1c7: {  	[sflag:s0] =	ssyncadd.tile.s32 @!p0 $0x1;
	_ =	shalt  }
.Lfunc_end2:
_tile_overlayer_lowered:
.L_overlay_start_2:
0x1c8: {  	(tag) =	ssettag $0x2  }
0x1c9: {  	s0 =	rddreg [dreg:$0x0];
	s2 =	stileid.u32  }
0x1ca: {  	s1 =	rddreg [dreg:$0x1];
	p0 =	sne.s32 s2, $0x0  }
0x1cb: {  	s3 =	rddreg [dreg:$0x2];
	[bflag:$0x3] =	sbarrier.arrive $0xFFFF;
	s2 =	simm.s32 @!p0 $0x1C03  }
0x1cc: {  	[timem:s3], [sflag:s2] =	dma.local @!p0 [hbm:s0], s1  }
0x1cd: {  	s0 =	simm.s32 @!p0 $0x3  }
0x1ce: {  	_ =	swait.ge @!p0 [sflag:s0], s1  }
0x1cf: {  	s1 =	ssub.s32 @!p0 $0x0, s1;
	[sflag:s0] =	ssyncset.done @!p0 $0x0  }
0x1d0: {  	[sflag:s0] =	ssyncadd.s32 @!p0 s1  }
0x1d1: {  	[bflag:$0x3] =	sbarrier.arrive $0xFFFF  }
0x1d2: {  	_ =	shalt  }

</sc_bundles>
